<compile_context>
chip_gen: v7x
topology: tpu7x:2x2x1
jax: 0.10.2.dev20260603
libtpu: 0.0.44.dev20260713+nightly
codegen_flags: <defaults>
</compile_context>

<pallas_src>
import functools

import jax
import jax.numpy as jnp
from jax import lax
from jax.experimental import pallas as pl
from jax.experimental.pallas import tpu as pltpu
from jax.experimental.pallas import tpu_sc as plsc

_CH = 64
_NBUF = 10


@functools.lru_cache(maxsize=None)
def _make_lookup(V, D, B):
    info = plsc.get_sparse_core_info()
    NC, NS = info.num_cores, info.num_subcores
    NW = NC * NS
    assert B % (NW * _CH) == 0
    b_per_w = B // NW
    n_ch = b_per_w // _CH
    assert n_ch % _NBUF == 0
    mesh = plsc.VectorSubcoreMesh(core_axis_name="c", subcore_axis_name="s")

    @functools.partial(
        pl.kernel,
        mesh=mesh,
        out_type=jax.ShapeDtypeStruct((B, D), jnp.float32),
        scratch_types=[
            pltpu.VMEM((n_ch, _CH), jnp.int32),
            pltpu.VMEM((_NBUF, _CH, D), jnp.float32),
        ]
        + [pltpu.SemaphoreType.DMA] * (2 * _NBUF),
    )
    def k(idx_hbm, table_hbm, out_hbm, idx_v, rows_v, *sems):
        gsem, osem = sems[:_NBUF], sems[_NBUF:]
        wid = lax.axis_index("s") * NC + lax.axis_index("c")
        base = wid * b_per_w
        pltpu.sync_copy(idx_hbm.at[wid], idx_v)

        def gather(s, b):
            return pltpu.make_async_copy(
                table_hbm.at[idx_v.at[s]], rows_v.at[b], gsem[b])

        def write(s, b):
            return pltpu.make_async_copy(
                rows_v.at[b], out_hbm.at[pl.ds(base + s * _CH, _CH)], osem[b])

        for b in range(_NBUF - 1):
            gather(b, b).start()

        def body(i, carry):
            for j in range(_NBUF):
                s = i * _NBUF + j
                bn = (j + _NBUF - 1) % _NBUF

                @pl.when(s >= 1)
                def _():
                    write(s - 1, bn).wait()

                @pl.when(s + _NBUF - 1 < n_ch)
                def _():
                    gather(s + _NBUF - 1, bn).start()

                gather(s, j).wait()
                write(s, j).start()
            return carry

        lax.fori_loop(0, n_ch // _NBUF, body, 0)
        write(n_ch - 1, (n_ch - 1) % _NBUF).wait()

    return k


def kernel(word_ids, table):
    batch, seq = word_ids.shape
    V, D = table.shape
    B = batch * seq
    info = plsc.get_sparse_core_info()
    NW = info.num_cores * info.num_subcores
    n_ch = B // (NW * _CH)
    idx = jnp.asarray(word_ids, jnp.int32).T.reshape(NW, n_ch, _CH)
    out = _make_lookup(V, D, B)(idx, table)
    return out.reshape(seq, batch, D).transpose(1, 0, 2)

# --- scband reference (transcript-rebuilt; emitter-appended) ---
"""Pipeline reference for scband-word-embedding-77043123356077 (READ-ONLY COPY).

The authoritative reference and input builder live on the scoring server;
editing this copy changes nothing except your own understanding.
"""

import jax, jax.numpy as jnp
import numpy as np

N_WORDS = 100000
EMB_DIM = 128
BATCH = 4096
SEQ = 50

def setup_inputs(seed: int = 0) -> dict:
    key = jax.random.key(seed)
    k_idx, k_tab = jax.random.split(key)
    word_ids = jax.random.randint(k_idx, (BATCH, SEQ), 0, N_WORDS, dtype=jnp.int64 if jax.config.jax_enable_x64 else jnp.int32)
    table = jax.random.normal(k_tab, (N_WORDS, EMB_DIM), dtype=jnp.float32)
    return {"word_ids": word_ids, "table": table}

def reference(word_ids, table):
    # nn.Embedding lookup: table[word_ids] -> (batch, seq, emb)
    word_emb = jnp.take(table, word_ids, axis=0)
    return word_emb

if __name__ == "__main__":
    import jax
    _d = setup_inputs()
    print(jax.jit(kernel)(*tuple(_d.values())))

</pallas_src>

<mosaic_0001>
#map = affine_map<(d0, d1) -> (0, 0, 0)>
#map1 = affine_map<(d0, d1) -> (0, 0)>
module attributes {stable_mosaic.version = 14 : i64} {
  func.func @k(%arg0: i32, %arg1: i32, %arg2: memref<32x100x64xi32, #tpu.memory_space<hbm>>, %arg3: memref<100000x128xf32, #tpu.memory_space<hbm>>, %arg4: memref<204800x128xf32, #tpu.memory_space<hbm>>, %arg5: memref<100x64xi32, #tpu.memory_space<vmem>>, %arg6: memref<10x64x128xf32, #tpu.memory_space<vmem>>, %arg7: memref<!tpu.dma_semaphore, #tpu.memory_space<semaphore_mem>>, %arg8: memref<!tpu.dma_semaphore, #tpu.memory_space<semaphore_mem>>, %arg9: memref<!tpu.dma_semaphore, #tpu.memory_space<semaphore_mem>>, %arg10: memref<!tpu.dma_semaphore, #tpu.memory_space<semaphore_mem>>, %arg11: memref<!tpu.dma_semaphore, #tpu.memory_space<semaphore_mem>>, %arg12: memref<!tpu.dma_semaphore, #tpu.memory_space<semaphore_mem>>, %arg13: memref<!tpu.dma_semaphore, #tpu.memory_space<semaphore_mem>>, %arg14: memref<!tpu.dma_semaphore, #tpu.memory_space<semaphore_mem>>, %arg15: memref<!tpu.dma_semaphore, #tpu.memory_space<semaphore_mem>>, %arg16: memref<!tpu.dma_semaphore, #tpu.memory_space<semaphore_mem>>, %arg17: memref<!tpu.dma_semaphore, #tpu.memory_space<semaphore_mem>>, %arg18: memref<!tpu.dma_semaphore, #tpu.memory_space<semaphore_mem>>, %arg19: memref<!tpu.dma_semaphore, #tpu.memory_space<semaphore_mem>>, %arg20: memref<!tpu.dma_semaphore, #tpu.memory_space<semaphore_mem>>, %arg21: memref<!tpu.dma_semaphore, #tpu.memory_space<semaphore_mem>>, %arg22: memref<!tpu.dma_semaphore, #tpu.memory_space<semaphore_mem>>, %arg23: memref<!tpu.dma_semaphore, #tpu.memory_space<semaphore_mem>>, %arg24: memref<!tpu.dma_semaphore, #tpu.memory_space<semaphore_mem>>, %arg25: memref<!tpu.dma_semaphore, #tpu.memory_space<semaphore_mem>>, %arg26: memref<!tpu.dma_semaphore, #tpu.memory_space<semaphore_mem>>) attributes {dimension_semantics = [#tpu.dimension_semantics<core_parallel>, #tpu.dimension_semantics<subcore_parallel>], iteration_bounds = array<i64: 2, 16>, scalar_prefetch = 0 : i64, scratch_operands = 22 : i64, tpu.core_type = #tpu.core_type<sc_vector_subcore>, window_params = [{transform_indices = #map}, {transform_indices = #map1}, {transform_indices = #map1}]} {
    %mul3A = arith.constant 2 : i32
    %mul3A_0 = arith.muli %arg1, %mul3A : i32
    %add3A = arith.addi %mul3A_0, %arg0 : i32
    %mul3A_1 = arith.constant 6400 : i32
    %mul3A_2 = arith.muli %add3A, %mul3A_1 : i32
    "tpu.region"() ({
      %run_scoped3A = tpu.sem_alloc : memref<!tpu.dma_semaphore, #tpu.memory_space<semaphore_mem>>
      %dma_start3A_129 = arith.constant 0 : i32
      %dma_start3A_130 = arith.constant 0 : i32
      %dma_start3A_131 = tpu.memref_slice %arg2[%add3A, %dma_start3A_129, %dma_start3A_130] : memref<32x100x64xi32, #tpu.memory_space<hbm>> -> memref<1x100x64xi32, #tpu.memory_space<hbm>>
      %dma_start3A_132 = tpu.memref_squeeze %dma_start3A_131 : memref<1x100x64xi32, #tpu.memory_space<hbm>> -> memref<100x64xi32, #tpu.memory_space<hbm>>
      %dma_start3A_133 = arith.constant 0 : i32
      %dma_start3A_134 = arith.constant 0 : i32
      %dma_start3A_135 = tpu.memref_slice %arg2[%add3A, %dma_start3A_133, %dma_start3A_134] : memref<32x100x64xi32, #tpu.memory_space<hbm>> -> memref<1x100x64xi32, #tpu.memory_space<hbm>>
      %dma_start3A_136 = tpu.memref_squeeze %dma_start3A_135 : memref<1x100x64xi32, #tpu.memory_space<hbm>> -> memref<100x64xi32, #tpu.memory_space<hbm>>
      tpu.enqueue_dma source(%dma_start3A_136 : memref<100x64xi32, #tpu.memory_space<hbm>>) target(%arg5 : memref<100x64xi32, #tpu.memory_space<vmem>>) target_semaphore(%run_scoped3A : memref<!tpu.dma_semaphore, #tpu.memory_space<semaphore_mem>>)
      %dma_wait3A_137 = arith.constant 0 : i32
      %dma_wait3A_138 = arith.constant 0 : i32
      %dma_wait3A_139 = tpu.memref_slice %arg2[%add3A, %dma_wait3A_137, %dma_wait3A_138] : memref<32x100x64xi32, #tpu.memory_space<hbm>> -> memref<1x100x64xi32, #tpu.memory_space<hbm>>
      %dma_wait3A_140 = tpu.memref_squeeze %dma_wait3A_139 : memref<1x100x64xi32, #tpu.memory_space<hbm>> -> memref<100x64xi32, #tpu.memory_space<hbm>>
      %dma_wait3A_141 = arith.constant 0 : i32
      %dma_wait3A_142 = arith.constant 0 : i32
      %dma_wait3A_143 = tpu.memref_slice %arg2[%add3A, %dma_wait3A_141, %dma_wait3A_142] : memref<32x100x64xi32, #tpu.memory_space<hbm>> -> memref<1x100x64xi32, #tpu.memory_space<hbm>>
      %dma_wait3A_144 = tpu.memref_squeeze %dma_wait3A_143 : memref<1x100x64xi32, #tpu.memory_space<hbm>> -> memref<100x64xi32, #tpu.memory_space<hbm>>
      tpu.wait_dma2 semaphore(%run_scoped3A : memref<!tpu.dma_semaphore, #tpu.memory_space<semaphore_mem>>) src(%dma_wait3A_144 : memref<100x64xi32, #tpu.memory_space<hbm>>) dst(%arg5 : memref<100x64xi32, #tpu.memory_space<vmem>>)
      tpu.yield
    }) : () -> ()
    %dma_start3A = arith.constant 0 : i32
    %dma_start3A_3 = arith.constant 0 : i32
    %dma_start3A_4 = arith.constant 0 : i32
    %dma_start3A_5 = arith.constant 0 : i32
    %dma_start3A_6 = tpu.memref_slice %arg6[%dma_start3A_3, %dma_start3A_4, %dma_start3A_5] : memref<10x64x128xf32, #tpu.memory_space<vmem>> -> memref<1x64x128xf32, #tpu.memory_space<vmem>>
    %dma_start3A_7 = tpu.memref_squeeze %dma_start3A_6 : memref<1x64x128xf32, #tpu.memory_space<vmem>> -> memref<64x128xf32, #tpu.memory_space<vmem>>
    %dma_start3A_8 = arith.constant 0 : i32
    %dma_start3A_9 = tpu.memref_slice %arg5[%dma_start3A, %dma_start3A_8] : memref<100x64xi32, #tpu.memory_space<vmem>> -> memref<1x64xi32, #tpu.memory_space<vmem>>
    %dma_start3A_10 = tpu.memref_squeeze %dma_start3A_9 : memref<1x64xi32, #tpu.memory_space<vmem>> -> memref<64xi32, #tpu.memory_space<vmem>>
    %dma_start3A_11 = arith.constant 0 : i32
    %dma_start3A_12 = arith.constant 0 : i32
    %dma_start3A_13 = tpu.memref_slice %arg3[%dma_start3A_11, %dma_start3A_12] : memref<100000x128xf32, #tpu.memory_space<hbm>> -> memref<100000x128xf32, #tpu.memory_space<hbm>>
    tpu.enqueue_indirect_dma source(%dma_start3A_13 : memref<100000x128xf32, #tpu.memory_space<hbm>>) target(%dma_start3A_7 : memref<64x128xf32, #tpu.memory_space<vmem>>) offsets(%dma_start3A_10 : memref<64xi32, #tpu.memory_space<vmem>>) semaphore(%arg7 : memref<!tpu.dma_semaphore, #tpu.memory_space<semaphore_mem>>)
    %dma_start3A_14 = arith.constant 1 : i32
    %dma_start3A_15 = arith.constant 1 : i32
    %dma_start3A_16 = arith.constant 0 : i32
    %dma_start3A_17 = arith.constant 0 : i32
    %dma_start3A_18 = tpu.memref_slice %arg6[%dma_start3A_15, %dma_start3A_16, %dma_start3A_17] : memref<10x64x128xf32, #tpu.memory_space<vmem>> -> memref<1x64x128xf32, #tpu.memory_space<vmem>>
    %dma_start3A_19 = tpu.memref_squeeze %dma_start3A_18 : memref<1x64x128xf32, #tpu.memory_space<vmem>> -> memref<64x128xf32, #tpu.memory_space<vmem>>
    %dma_start3A_20 = arith.constant 0 : i32
    %dma_start3A_21 = tpu.memref_slice %arg5[%dma_start3A_14, %dma_start3A_20] : memref<100x64xi32, #tpu.memory_space<vmem>> -> memref<1x64xi32, #tpu.memory_space<vmem>>
    %dma_start3A_22 = tpu.memref_squeeze %dma_start3A_21 : memref<1x64xi32, #tpu.memory_space<vmem>> -> memref<64xi32, #tpu.memory_space<vmem>>
    %dma_start3A_23 = arith.constant 0 : i32
    %dma_start3A_24 = arith.constant 0 : i32
    %dma_start3A_25 = tpu.memref_slice %arg3[%dma_start3A_23, %dma_start3A_24] : memref<100000x128xf32, #tpu.memory_space<hbm>> -> memref<100000x128xf32, #tpu.memory_space<hbm>>
    tpu.enqueue_indirect_dma source(%dma_start3A_25 : memref<100000x128xf32, #tpu.memory_space<hbm>>) target(%dma_start3A_19 : memref<64x128xf32, #tpu.memory_space<vmem>>) offsets(%dma_start3A_22 : memref<64xi32, #tpu.memory_space<vmem>>) semaphore(%arg8 : memref<!tpu.dma_semaphore, #tpu.memory_space<semaphore_mem>>)
    %dma_start3A_26 = arith.constant 2 : i32
    %dma_start3A_27 = arith.constant 2 : i32
    %dma_start3A_28 = arith.constant 0 : i32
    %dma_start3A_29 = arith.constant 0 : i32
    %dma_start3A_30 = tpu.memref_slice %arg6[%dma_start3A_27, %dma_start3A_28, %dma_start3A_29] : memref<10x64x128xf32, #tpu.memory_space<vmem>> -> memref<1x64x128xf32, #tpu.memory_space<vmem>>
    %dma_start3A_31 = tpu.memref_squeeze %dma_start3A_30 : memref<1x64x128xf32, #tpu.memory_space<vmem>> -> memref<64x128xf32, #tpu.memory_space<vmem>>
    %dma_start3A_32 = arith.constant 0 : i32
    %dma_start3A_33 = tpu.memref_slice %arg5[%dma_start3A_26, %dma_start3A_32] : memref<100x64xi32, #tpu.memory_space<vmem>> -> memref<1x64xi32, #tpu.memory_space<vmem>>
    %dma_start3A_34 = tpu.memref_squeeze %dma_start3A_33 : memref<1x64xi32, #tpu.memory_space<vmem>> -> memref<64xi32, #tpu.memory_space<vmem>>
    %dma_start3A_35 = arith.constant 0 : i32
    %dma_start3A_36 = arith.constant 0 : i32
    %dma_start3A_37 = tpu.memref_slice %arg3[%dma_start3A_35, %dma_start3A_36] : memref<100000x128xf32, #tpu.memory_space<hbm>> -> memref<100000x128xf32, #tpu.memory_space<hbm>>
    tpu.enqueue_indirect_dma source(%dma_start3A_37 : memref<100000x128xf32, #tpu.memory_space<hbm>>) target(%dma_start3A_31 : memref<64x128xf32, #tpu.memory_space<vmem>>) offsets(%dma_start3A_34 : memref<64xi32, #tpu.memory_space<vmem>>) semaphore(%arg9 : memref<!tpu.dma_semaphore, #tpu.memory_space<semaphore_mem>>)
    %dma_start3A_38 = arith.constant 3 : i32
    %dma_start3A_39 = arith.constant 3 : i32
    %dma_start3A_40 = arith.constant 0 : i32
    %dma_start3A_41 = arith.constant 0 : i32
    %dma_start3A_42 = tpu.memref_slice %arg6[%dma_start3A_39, %dma_start3A_40, %dma_start3A_41] : memref<10x64x128xf32, #tpu.memory_space<vmem>> -> memref<1x64x128xf32, #tpu.memory_space<vmem>>
    %dma_start3A_43 = tpu.memref_squeeze %dma_start3A_42 : memref<1x64x128xf32, #tpu.memory_space<vmem>> -> memref<64x128xf32, #tpu.memory_space<vmem>>
    %dma_start3A_44 = arith.constant 0 : i32
    %dma_start3A_45 = tpu.memref_slice %arg5[%dma_start3A_38, %dma_start3A_44] : memref<100x64xi32, #tpu.memory_space<vmem>> -> memref<1x64xi32, #tpu.memory_space<vmem>>
    %dma_start3A_46 = tpu.memref_squeeze %dma_start3A_45 : memref<1x64xi32, #tpu.memory_space<vmem>> -> memref<64xi32, #tpu.memory_space<vmem>>
    %dma_start3A_47 = arith.constant 0 : i32
    %dma_start3A_48 = arith.constant 0 : i32
    %dma_start3A_49 = tpu.memref_slice %arg3[%dma_start3A_47, %dma_start3A_48] : memref<100000x128xf32, #tpu.memory_space<hbm>> -> memref<100000x128xf32, #tpu.memory_space<hbm>>
    tpu.enqueue_indirect_dma source(%dma_start3A_49 : memref<100000x128xf32, #tpu.memory_space<hbm>>) target(%dma_start3A_43 : memref<64x128xf32, #tpu.memory_space<vmem>>) offsets(%dma_start3A_46 : memref<64xi32, #tpu.memory_space<vmem>>) semaphore(%arg10 : memref<!tpu.dma_semaphore, #tpu.memory_space<semaphore_mem>>)
    %dma_start3A_50 = arith.constant 4 : i32
    %dma_start3A_51 = arith.constant 4 : i32
    %dma_start3A_52 = arith.constant 0 : i32
    %dma_start3A_53 = arith.constant 0 : i32
    %dma_start3A_54 = tpu.memref_slice %arg6[%dma_start3A_51, %dma_start3A_52, %dma_start3A_53] : memref<10x64x128xf32, #tpu.memory_space<vmem>> -> memref<1x64x128xf32, #tpu.memory_space<vmem>>
    %dma_start3A_55 = tpu.memref_squeeze %dma_start3A_54 : memref<1x64x128xf32, #tpu.memory_space<vmem>> -> memref<64x128xf32, #tpu.memory_space<vmem>>
    %dma_start3A_56 = arith.constant 0 : i32
    %dma_start3A_57 = tpu.memref_slice %arg5[%dma_start3A_50, %dma_start3A_56] : memref<100x64xi32, #tpu.memory_space<vmem>> -> memref<1x64xi32, #tpu.memory_space<vmem>>
    %dma_start3A_58 = tpu.memref_squeeze %dma_start3A_57 : memref<1x64xi32, #tpu.memory_space<vmem>> -> memref<64xi32, #tpu.memory_space<vmem>>
    %dma_start3A_59 = arith.constant 0 : i32
    %dma_start3A_60 = arith.constant 0 : i32
    %dma_start3A_61 = tpu.memref_slice %arg3[%dma_start3A_59, %dma_start3A_60] : memref<100000x128xf32, #tpu.memory_space<hbm>> -> memref<100000x128xf32, #tpu.memory_space<hbm>>
    tpu.enqueue_indirect_dma source(%dma_start3A_61 : memref<100000x128xf32, #tpu.memory_space<hbm>>) target(%dma_start3A_55 : memref<64x128xf32, #tpu.memory_space<vmem>>) offsets(%dma_start3A_58 : memref<64xi32, #tpu.memory_space<vmem>>) semaphore(%arg11 : memref<!tpu.dma_semaphore, #tpu.memory_space<semaphore_mem>>)
    %dma_start3A_62 = arith.constant 5 : i32
    %dma_start3A_63 = arith.constant 5 : i32
    %dma_start3A_64 = arith.constant 0 : i32
    %dma_start3A_65 = arith.constant 0 : i32
    %dma_start3A_66 = tpu.memref_slice %arg6[%dma_start3A_63, %dma_start3A_64, %dma_start3A_65] : memref<10x64x128xf32, #tpu.memory_space<vmem>> -> memref<1x64x128xf32, #tpu.memory_space<vmem>>
    %dma_start3A_67 = tpu.memref_squeeze %dma_start3A_66 : memref<1x64x128xf32, #tpu.memory_space<vmem>> -> memref<64x128xf32, #tpu.memory_space<vmem>>
    %dma_start3A_68 = arith.constant 0 : i32
    %dma_start3A_69 = tpu.memref_slice %arg5[%dma_start3A_62, %dma_start3A_68] : memref<100x64xi32, #tpu.memory_space<vmem>> -> memref<1x64xi32, #tpu.memory_space<vmem>>
    %dma_start3A_70 = tpu.memref_squeeze %dma_start3A_69 : memref<1x64xi32, #tpu.memory_space<vmem>> -> memref<64xi32, #tpu.memory_space<vmem>>
    %dma_start3A_71 = arith.constant 0 : i32
    %dma_start3A_72 = arith.constant 0 : i32
    %dma_start3A_73 = tpu.memref_slice %arg3[%dma_start3A_71, %dma_start3A_72] : memref<100000x128xf32, #tpu.memory_space<hbm>> -> memref<100000x128xf32, #tpu.memory_space<hbm>>
    tpu.enqueue_indirect_dma source(%dma_start3A_73 : memref<100000x128xf32, #tpu.memory_space<hbm>>) target(%dma_start3A_67 : memref<64x128xf32, #tpu.memory_space<vmem>>) offsets(%dma_start3A_70 : memref<64xi32, #tpu.memory_space<vmem>>) semaphore(%arg12 : memref<!tpu.dma_semaphore, #tpu.memory_space<semaphore_mem>>)
    %dma_start3A_74 = arith.constant 6 : i32
    %dma_start3A_75 = arith.constant 6 : i32
    %dma_start3A_76 = arith.constant 0 : i32
    %dma_start3A_77 = arith.constant 0 : i32
    %dma_start3A_78 = tpu.memref_slice %arg6[%dma_start3A_75, %dma_start3A_76, %dma_start3A_77] : memref<10x64x128xf32, #tpu.memory_space<vmem>> -> memref<1x64x128xf32, #tpu.memory_space<vmem>>
    %dma_start3A_79 = tpu.memref_squeeze %dma_start3A_78 : memref<1x64x128xf32, #tpu.memory_space<vmem>> -> memref<64x128xf32, #tpu.memory_space<vmem>>
    %dma_start3A_80 = arith.constant 0 : i32
    %dma_start3A_81 = tpu.memref_slice %arg5[%dma_start3A_74, %dma_start3A_80] : memref<100x64xi32, #tpu.memory_space<vmem>> -> memref<1x64xi32, #tpu.memory_space<vmem>>
    %dma_start3A_82 = tpu.memref_squeeze %dma_start3A_81 : memref<1x64xi32, #tpu.memory_space<vmem>> -> memref<64xi32, #tpu.memory_space<vmem>>
    %dma_start3A_83 = arith.constant 0 : i32
    %dma_start3A_84 = arith.constant 0 : i32
    %dma_start3A_85 = tpu.memref_slice %arg3[%dma_start3A_83, %dma_start3A_84] : memref<100000x128xf32, #tpu.memory_space<hbm>> -> memref<100000x128xf32, #tpu.memory_space<hbm>>
    tpu.enqueue_indirect_dma source(%dma_start3A_85 : memref<100000x128xf32, #tpu.memory_space<hbm>>) target(%dma_start3A_79 : memref<64x128xf32, #tpu.memory_space<vmem>>) offsets(%dma_start3A_82 : memref<64xi32, #tpu.memory_space<vmem>>) semaphore(%arg13 : memref<!tpu.dma_semaphore, #tpu.memory_space<semaphore_mem>>)
    %dma_start3A_86 = arith.constant 7 : i32
    %dma_start3A_87 = arith.constant 7 : i32
    %dma_start3A_88 = arith.constant 0 : i32
    %dma_start3A_89 = arith.constant 0 : i32
    %dma_start3A_90 = tpu.memref_slice %arg6[%dma_start3A_87, %dma_start3A_88, %dma_start3A_89] : memref<10x64x128xf32, #tpu.memory_space<vmem>> -> memref<1x64x128xf32, #tpu.memory_space<vmem>>
    %dma_start3A_91 = tpu.memref_squeeze %dma_start3A_90 : memref<1x64x128xf32, #tpu.memory_space<vmem>> -> memref<64x128xf32, #tpu.memory_space<vmem>>
    %dma_start3A_92 = arith.constant 0 : i32
    %dma_start3A_93 = tpu.memref_slice %arg5[%dma_start3A_86, %dma_start3A_92] : memref<100x64xi32, #tpu.memory_space<vmem>> -> memref<1x64xi32, #tpu.memory_space<vmem>>
    %dma_start3A_94 = tpu.memref_squeeze %dma_start3A_93 : memref<1x64xi32, #tpu.memory_space<vmem>> -> memref<64xi32, #tpu.memory_space<vmem>>
    %dma_start3A_95 = arith.constant 0 : i32
    %dma_start3A_96 = arith.constant 0 : i32
    %dma_start3A_97 = tpu.memref_slice %arg3[%dma_start3A_95, %dma_start3A_96] : memref<100000x128xf32, #tpu.memory_space<hbm>> -> memref<100000x128xf32, #tpu.memory_space<hbm>>
    tpu.enqueue_indirect_dma source(%dma_start3A_97 : memref<100000x128xf32, #tpu.memory_space<hbm>>) target(%dma_start3A_91 : memref<64x128xf32, #tpu.memory_space<vmem>>) offsets(%dma_start3A_94 : memref<64xi32, #tpu.memory_space<vmem>>) semaphore(%arg14 : memref<!tpu.dma_semaphore, #tpu.memory_space<semaphore_mem>>)
    %dma_start3A_98 = arith.constant 8 : i32
    %dma_start3A_99 = arith.constant 8 : i32
    %dma_start3A_100 = arith.constant 0 : i32
    %dma_start3A_101 = arith.constant 0 : i32
    %dma_start3A_102 = tpu.memref_slice %arg6[%dma_start3A_99, %dma_start3A_100, %dma_start3A_101] : memref<10x64x128xf32, #tpu.memory_space<vmem>> -> memref<1x64x128xf32, #tpu.memory_space<vmem>>
    %dma_start3A_103 = tpu.memref_squeeze %dma_start3A_102 : memref<1x64x128xf32, #tpu.memory_space<vmem>> -> memref<64x128xf32, #tpu.memory_space<vmem>>
    %dma_start3A_104 = arith.constant 0 : i32
    %dma_start3A_105 = tpu.memref_slice %arg5[%dma_start3A_98, %dma_start3A_104] : memref<100x64xi32, #tpu.memory_space<vmem>> -> memref<1x64xi32, #tpu.memory_space<vmem>>
    %dma_start3A_106 = tpu.memref_squeeze %dma_start3A_105 : memref<1x64xi32, #tpu.memory_space<vmem>> -> memref<64xi32, #tpu.memory_space<vmem>>
    %dma_start3A_107 = arith.constant 0 : i32
    %dma_start3A_108 = arith.constant 0 : i32
    %dma_start3A_109 = tpu.memref_slice %arg3[%dma_start3A_107, %dma_start3A_108] : memref<100000x128xf32, #tpu.memory_space<hbm>> -> memref<100000x128xf32, #tpu.memory_space<hbm>>
    tpu.enqueue_indirect_dma source(%dma_start3A_109 : memref<100000x128xf32, #tpu.memory_space<hbm>>) target(%dma_start3A_103 : memref<64x128xf32, #tpu.memory_space<vmem>>) offsets(%dma_start3A_106 : memref<64xi32, #tpu.memory_space<vmem>>) semaphore(%arg15 : memref<!tpu.dma_semaphore, #tpu.memory_space<semaphore_mem>>)
    %scan3A = arith.constant 0 : i32
    %scan3A_110 = arith.constant 0 : i32
    %scan3A_111 = arith.constant 10 : i32
    %scan3A_112 = arith.addi %scan3A_110, %scan3A_111 : i32
    %scan3A_113 = arith.constant 1 : i32
    scf.for %scan3A_129 = %scan3A_110 to %scan3A_112 step %scan3A_113  : i32 {
      %mul3A_130 = arith.constant 10 : i32
      %mul3A_131 = arith.muli %scan3A_129, %mul3A_130 : i32
      %add3A_132 = arith.constant 0 : i32
      %add3A_133 = arith.addi %mul3A_131, %add3A_132 : i32
      %ge3A = arith.constant 1 : i32
      %ge3A_134 = arith.cmpi sge, %add3A_133, %ge3A : i32
      %convert_element_type3A = arith.extui %ge3A_134 : i1 to i32
      %cond3A = arith.constant 0 : i32
      %cond3A_135 = arith.cmpi ne, %convert_element_type3A, %cond3A : i32
      scf.if %cond3A_135 {
        %sub3A_575 = arith.constant 1 : i32
        %sub3A_576 = arith.subi %add3A_133, %sub3A_575 : i32
        %mul3A_577 = arith.constant 64 : i32
        %mul3A_578 = arith.muli %sub3A_576, %mul3A_577 : i32
        %add3A_579 = arith.addi %mul3A_2, %mul3A_578 : i32
        %dma_wait3A_580 = arith.constant 9 : i32
        %dma_wait3A_581 = arith.constant 0 : i32
        %dma_wait3A_582 = arith.constant 0 : i32
        %dma_wait3A_583 = tpu.memref_slice %arg6[%dma_wait3A_580, %dma_wait3A_581, %dma_wait3A_582] : memref<10x64x128xf32, #tpu.memory_space<vmem>> -> memref<1x64x128xf32, #tpu.memory_space<vmem>>
        %dma_wait3A_584 = tpu.memref_squeeze %dma_wait3A_583 : memref<1x64x128xf32, #tpu.memory_space<vmem>> -> memref<64x128xf32, #tpu.memory_space<vmem>>
        %dma_wait3A_585 = arith.constant 0 : i32
        %dma_wait3A_586 = tpu.memref_slice %arg4[%add3A_579, %dma_wait3A_585] : memref<204800x128xf32, #tpu.memory_space<hbm>> -> memref<64x128xf32, #tpu.memory_space<hbm>>
        %dma_wait3A_587 = arith.constant 0 : i32
        %dma_wait3A_588 = tpu.memref_slice %arg4[%add3A_579, %dma_wait3A_587] : memref<204800x128xf32, #tpu.memory_space<hbm>> -> memref<64x128xf32, #tpu.memory_space<hbm>>
        %dma_wait3A_589 = arith.constant 0 : i32
        %dma_wait3A_590 = arith.constant 0 : i32
        %dma_wait3A_591 = tpu.memref_slice %arg6[%dma_wait3A_580, %dma_wait3A_589, %dma_wait3A_590] : memref<10x64x128xf32, #tpu.memory_space<vmem>> -> memref<1x64x128xf32, #tpu.memory_space<vmem>>
        %dma_wait3A_592 = tpu.memref_squeeze %dma_wait3A_591 : memref<1x64x128xf32, #tpu.memory_space<vmem>> -> memref<64x128xf32, #tpu.memory_space<vmem>>
        tpu.wait_dma2 semaphore(%arg26 : memref<!tpu.dma_semaphore, #tpu.memory_space<semaphore_mem>>) src(%dma_wait3A_592 : memref<64x128xf32, #tpu.memory_space<vmem>>) dst(%dma_wait3A_588 : memref<64x128xf32, #tpu.memory_space<hbm>>)
      } else {
      }
      %add3A_136 = arith.constant 10 : i32
      %add3A_137 = arith.addi %add3A_133, %add3A_136 : i32
      %sub3A = arith.constant 1 : i32
      %sub3A_138 = arith.subi %add3A_137, %sub3A : i32
      %lt3A = arith.constant 100 : i32
      %lt3A_139 = arith.cmpi slt, %sub3A_138, %lt3A : i32
      %convert_element_type3A_140 = arith.extui %lt3A_139 : i1 to i32
      %cond3A_141 = arith.constant 0 : i32
      %cond3A_142 = arith.cmpi ne, %convert_element_type3A_140, %cond3A_141 : i32
      scf.if %cond3A_142 {
        %add3A_575 = arith.constant 10 : i32
        %add3A_576 = arith.addi %add3A_133, %add3A_575 : i32
        %sub3A_577 = arith.constant 1 : i32
        %sub3A_578 = arith.subi %add3A_576, %sub3A_577 : i32
        %dma_start3A_579 = arith.constant 9 : i32
        %dma_start3A_580 = arith.constant 0 : i32
        %dma_start3A_581 = arith.constant 0 : i32
        %dma_start3A_582 = tpu.memref_slice %arg6[%dma_start3A_579, %dma_start3A_580, %dma_start3A_581] : memref<10x64x128xf32, #tpu.memory_space<vmem>> -> memref<1x64x128xf32, #tpu.memory_space<vmem>>
        %dma_start3A_583 = tpu.memref_squeeze %dma_start3A_582 : memref<1x64x128xf32, #tpu.memory_space<vmem>> -> memref<64x128xf32, #tpu.memory_space<vmem>>
        %dma_start3A_584 = arith.constant 0 : i32
        %dma_start3A_585 = tpu.memref_slice %arg5[%sub3A_578, %dma_start3A_584] : memref<100x64xi32, #tpu.memory_space<vmem>> -> memref<1x64xi32, #tpu.memory_space<vmem>>
        %dma_start3A_586 = tpu.memref_squeeze %dma_start3A_585 : memref<1x64xi32, #tpu.memory_space<vmem>> -> memref<64xi32, #tpu.memory_space<vmem>>
        %dma_start3A_587 = arith.constant 0 : i32
        %dma_start3A_588 = arith.constant 0 : i32
        %dma_start3A_589 = tpu.memref_slice %arg3[%dma_start3A_587, %dma_start3A_588] : memref<100000x128xf32, #tpu.memory_space<hbm>> -> memref<100000x128xf32, #tpu.memory_space<hbm>>
        tpu.enqueue_indirect_dma source(%dma_start3A_589 : memref<100000x128xf32, #tpu.memory_space<hbm>>) target(%dma_start3A_583 : memref<64x128xf32, #tpu.memory_space<vmem>>) offsets(%dma_start3A_586 : memref<64xi32, #tpu.memory_space<vmem>>) semaphore(%arg16 : memref<!tpu.dma_semaphore, #tpu.memory_space<semaphore_mem>>)
      } else {
      }
      %dma_wait3A_143 = arith.constant 0 : i32
      %dma_wait3A_144 = arith.constant 0 : i32
      %dma_wait3A_145 = arith.constant 0 : i32
      %dma_wait3A_146 = tpu.memref_slice %arg6[%dma_wait3A_143, %dma_wait3A_144, %dma_wait3A_145] : memref<10x64x128xf32, #tpu.memory_space<vmem>> -> memref<1x64x128xf32, #tpu.memory_space<vmem>>
      %dma_wait3A_147 = tpu.memref_squeeze %dma_wait3A_146 : memref<1x64x128xf32, #tpu.memory_space<vmem>> -> memref<64x128xf32, #tpu.memory_space<vmem>>
      %dma_wait3A_148 = arith.constant 0 : i32
      %dma_wait3A_149 = tpu.memref_slice %arg5[%add3A_133, %dma_wait3A_148] : memref<100x64xi32, #tpu.memory_space<vmem>> -> memref<1x64xi32, #tpu.memory_space<vmem>>
      %dma_wait3A_150 = tpu.memref_squeeze %dma_wait3A_149 : memref<1x64xi32, #tpu.memory_space<vmem>> -> memref<64xi32, #tpu.memory_space<vmem>>
      %dma_wait3A_151 = arith.constant 0 : i32
      %dma_wait3A_152 = arith.constant 0 : i32
      %dma_wait3A_153 = tpu.memref_slice %arg3[%dma_wait3A_151, %dma_wait3A_152] : memref<100000x128xf32, #tpu.memory_space<hbm>> -> memref<100000x128xf32, #tpu.memory_space<hbm>>
      tpu.wait_indirect_dma semaphore(%arg7 : memref<!tpu.dma_semaphore, #tpu.memory_space<semaphore_mem>>) src(%dma_wait3A_153 : memref<100000x128xf32, #tpu.memory_space<hbm>>) dst(%dma_wait3A_147 : memref<64x128xf32, #tpu.memory_space<vmem>>)
      %mul3A_154 = arith.constant 64 : i32
      %mul3A_155 = arith.muli %add3A_133, %mul3A_154 : i32
      %add3A_156 = arith.addi %mul3A_2, %mul3A_155 : i32
      %dma_start3A_157 = arith.constant 0 : i32
      %dma_start3A_158 = arith.constant 0 : i32
      %dma_start3A_159 = arith.constant 0 : i32
      %dma_start3A_160 = tpu.memref_slice %arg6[%dma_start3A_157, %dma_start3A_158, %dma_start3A_159] : memref<10x64x128xf32, #tpu.memory_space<vmem>> -> memref<1x64x128xf32, #tpu.memory_space<vmem>>
      %dma_start3A_161 = tpu.memref_squeeze %dma_start3A_160 : memref<1x64x128xf32, #tpu.memory_space<vmem>> -> memref<64x128xf32, #tpu.memory_space<vmem>>
      %dma_start3A_162 = arith.constant 0 : i32
      %dma_start3A_163 = tpu.memref_slice %arg4[%add3A_156, %dma_start3A_162] : memref<204800x128xf32, #tpu.memory_space<hbm>> -> memref<64x128xf32, #tpu.memory_space<hbm>>
      %dma_start3A_164 = arith.constant 0 : i32
      %dma_start3A_165 = tpu.memref_slice %arg4[%add3A_156, %dma_start3A_164] : memref<204800x128xf32, #tpu.memory_space<hbm>> -> memref<64x128xf32, #tpu.memory_space<hbm>>
      %dma_start3A_166 = arith.constant 0 : i32
      %dma_start3A_167 = arith.constant 0 : i32
      %dma_start3A_168 = tpu.memref_slice %arg6[%dma_start3A_157, %dma_start3A_166, %dma_start3A_167] : memref<10x64x128xf32, #tpu.memory_space<vmem>> -> memref<1x64x128xf32, #tpu.memory_space<vmem>>
      %dma_start3A_169 = tpu.memref_squeeze %dma_start3A_168 : memref<1x64x128xf32, #tpu.memory_space<vmem>> -> memref<64x128xf32, #tpu.memory_space<vmem>>
      tpu.enqueue_dma source(%dma_start3A_169 : memref<64x128xf32, #tpu.memory_space<vmem>>) target(%dma_start3A_165 : memref<64x128xf32, #tpu.memory_space<hbm>>) target_semaphore(%arg17 : memref<!tpu.dma_semaphore, #tpu.memory_space<semaphore_mem>>)
      %mul3A_170 = arith.constant 10 : i32
      %mul3A_171 = arith.muli %scan3A_129, %mul3A_170 : i32
      %add3A_172 = arith.constant 1 : i32
      %add3A_173 = arith.addi %mul3A_171, %add3A_172 : i32
      %ge3A_174 = arith.constant 1 : i32
      %ge3A_175 = arith.cmpi sge, %add3A_173, %ge3A_174 : i32
      %convert_element_type3A_176 = arith.extui %ge3A_175 : i1 to i32
      %cond3A_177 = arith.constant 0 : i32
      %cond3A_178 = arith.cmpi ne, %convert_element_type3A_176, %cond3A_177 : i32
      scf.if %cond3A_178 {
        %sub3A_575 = arith.constant 1 : i32
        %sub3A_576 = arith.subi %add3A_173, %sub3A_575 : i32
        %mul3A_577 = arith.constant 64 : i32
        %mul3A_578 = arith.muli %sub3A_576, %mul3A_577 : i32
        %add3A_579 = arith.addi %mul3A_2, %mul3A_578 : i32
        %dma_wait3A_580 = arith.constant 0 : i32
        %dma_wait3A_581 = arith.constant 0 : i32
        %dma_wait3A_582 = arith.constant 0 : i32
        %dma_wait3A_583 = tpu.memref_slice %arg6[%dma_wait3A_580, %dma_wait3A_581, %dma_wait3A_582] : memref<10x64x128xf32, #tpu.memory_space<vmem>> -> memref<1x64x128xf32, #tpu.memory_space<vmem>>
        %dma_wait3A_584 = tpu.memref_squeeze %dma_wait3A_583 : memref<1x64x128xf32, #tpu.memory_space<vmem>> -> memref<64x128xf32, #tpu.memory_space<vmem>>
        %dma_wait3A_585 = arith.constant 0 : i32
        %dma_wait3A_586 = tpu.memref_slice %arg4[%add3A_579, %dma_wait3A_585] : memref<204800x128xf32, #tpu.memory_space<hbm>> -> memref<64x128xf32, #tpu.memory_space<hbm>>
        %dma_wait3A_587 = arith.constant 0 : i32
        %dma_wait3A_588 = tpu.memref_slice %arg4[%add3A_579, %dma_wait3A_587] : memref<204800x128xf32, #tpu.memory_space<hbm>> -> memref<64x128xf32, #tpu.memory_space<hbm>>
        %dma_wait3A_589 = arith.constant 0 : i32
        %dma_wait3A_590 = arith.constant 0 : i32
        %dma_wait3A_591 = tpu.memref_slice %arg6[%dma_wait3A_580, %dma_wait3A_589, %dma_wait3A_590] : memref<10x64x128xf32, #tpu.memory_space<vmem>> -> memref<1x64x128xf32, #tpu.memory_space<vmem>>
        %dma_wait3A_592 = tpu.memref_squeeze %dma_wait3A_591 : memref<1x64x128xf32, #tpu.memory_space<vmem>> -> memref<64x128xf32, #tpu.memory_space<vmem>>
        tpu.wait_dma2 semaphore(%arg17 : memref<!tpu.dma_semaphore, #tpu.memory_space<semaphore_mem>>) src(%dma_wait3A_592 : memref<64x128xf32, #tpu.memory_space<vmem>>) dst(%dma_wait3A_588 : memref<64x128xf32, #tpu.memory_space<hbm>>)
      } else {
      }
      %add3A_179 = arith.constant 10 : i32
      %add3A_180 = arith.addi %add3A_173, %add3A_179 : i32
      %sub3A_181 = arith.constant 1 : i32
      %sub3A_182 = arith.subi %add3A_180, %sub3A_181 : i32
      %lt3A_183 = arith.constant 100 : i32
      %lt3A_184 = arith.cmpi slt, %sub3A_182, %lt3A_183 : i32
      %convert_element_type3A_185 = arith.extui %lt3A_184 : i1 to i32
      %cond3A_186 = arith.constant 0 : i32
      %cond3A_187 = arith.cmpi ne, %convert_element_type3A_185, %cond3A_186 : i32
      scf.if %cond3A_187 {
        %add3A_575 = arith.constant 10 : i32
        %add3A_576 = arith.addi %add3A_173, %add3A_575 : i32
        %sub3A_577 = arith.constant 1 : i32
        %sub3A_578 = arith.subi %add3A_576, %sub3A_577 : i32
        %dma_start3A_579 = arith.constant 0 : i32
        %dma_start3A_580 = arith.constant 0 : i32
        %dma_start3A_581 = arith.constant 0 : i32
        %dma_start3A_582 = tpu.memref_slice %arg6[%dma_start3A_579, %dma_start3A_580, %dma_start3A_581] : memref<10x64x128xf32, #tpu.memory_space<vmem>> -> memref<1x64x128xf32, #tpu.memory_space<vmem>>
        %dma_start3A_583 = tpu.memref_squeeze %dma_start3A_582 : memref<1x64x128xf32, #tpu.memory_space<vmem>> -> memref<64x128xf32, #tpu.memory_space<vmem>>
        %dma_start3A_584 = arith.constant 0 : i32
        %dma_start3A_585 = tpu.memref_slice %arg5[%sub3A_578, %dma_start3A_584] : memref<100x64xi32, #tpu.memory_space<vmem>> -> memref<1x64xi32, #tpu.memory_space<vmem>>
        %dma_start3A_586 = tpu.memref_squeeze %dma_start3A_585 : memref<1x64xi32, #tpu.memory_space<vmem>> -> memref<64xi32, #tpu.memory_space<vmem>>
        %dma_start3A_587 = arith.constant 0 : i32
        %dma_start3A_588 = arith.constant 0 : i32
        %dma_start3A_589 = tpu.memref_slice %arg3[%dma_start3A_587, %dma_start3A_588] : memref<100000x128xf32, #tpu.memory_space<hbm>> -> memref<100000x128xf32, #tpu.memory_space<hbm>>
        tpu.enqueue_indirect_dma source(%dma_start3A_589 : memref<100000x128xf32, #tpu.memory_space<hbm>>) target(%dma_start3A_583 : memref<64x128xf32, #tpu.memory_space<vmem>>) offsets(%dma_start3A_586 : memref<64xi32, #tpu.memory_space<vmem>>) semaphore(%arg7 : memref<!tpu.dma_semaphore, #tpu.memory_space<semaphore_mem>>)
      } else {
      }
      %dma_wait3A_188 = arith.constant 1 : i32
      %dma_wait3A_189 = arith.constant 0 : i32
      %dma_wait3A_190 = arith.constant 0 : i32
      %dma_wait3A_191 = tpu.memref_slice %arg6[%dma_wait3A_188, %dma_wait3A_189, %dma_wait3A_190] : memref<10x64x128xf32, #tpu.memory_space<vmem>> -> memref<1x64x128xf32, #tpu.memory_space<vmem>>
      %dma_wait3A_192 = tpu.memref_squeeze %dma_wait3A_191 : memref<1x64x128xf32, #tpu.memory_space<vmem>> -> memref<64x128xf32, #tpu.memory_space<vmem>>
      %dma_wait3A_193 = arith.constant 0 : i32
      %dma_wait3A_194 = tpu.memref_slice %arg5[%add3A_173, %dma_wait3A_193] : memref<100x64xi32, #tpu.memory_space<vmem>> -> memref<1x64xi32, #tpu.memory_space<vmem>>
      %dma_wait3A_195 = tpu.memref_squeeze %dma_wait3A_194 : memref<1x64xi32, #tpu.memory_space<vmem>> -> memref<64xi32, #tpu.memory_space<vmem>>
      %dma_wait3A_196 = arith.constant 0 : i32
      %dma_wait3A_197 = arith.constant 0 : i32
      %dma_wait3A_198 = tpu.memref_slice %arg3[%dma_wait3A_196, %dma_wait3A_197] : memref<100000x128xf32, #tpu.memory_space<hbm>> -> memref<100000x128xf32, #tpu.memory_space<hbm>>
      tpu.wait_indirect_dma semaphore(%arg8 : memref<!tpu.dma_semaphore, #tpu.memory_space<semaphore_mem>>) src(%dma_wait3A_198 : memref<100000x128xf32, #tpu.memory_space<hbm>>) dst(%dma_wait3A_192 : memref<64x128xf32, #tpu.memory_space<vmem>>)
      %mul3A_199 = arith.constant 64 : i32
      %mul3A_200 = arith.muli %add3A_173, %mul3A_199 : i32
      %add3A_201 = arith.addi %mul3A_2, %mul3A_200 : i32
      %dma_start3A_202 = arith.constant 1 : i32
      %dma_start3A_203 = arith.constant 0 : i32
      %dma_start3A_204 = arith.constant 0 : i32
      %dma_start3A_205 = tpu.memref_slice %arg6[%dma_start3A_202, %dma_start3A_203, %dma_start3A_204] : memref<10x64x128xf32, #tpu.memory_space<vmem>> -> memref<1x64x128xf32, #tpu.memory_space<vmem>>
      %dma_start3A_206 = tpu.memref_squeeze %dma_start3A_205 : memref<1x64x128xf32, #tpu.memory_space<vmem>> -> memref<64x128xf32, #tpu.memory_space<vmem>>
      %dma_start3A_207 = arith.constant 0 : i32
      %dma_start3A_208 = tpu.memref_slice %arg4[%add3A_201, %dma_start3A_207] : memref<204800x128xf32, #tpu.memory_space<hbm>> -> memref<64x128xf32, #tpu.memory_space<hbm>>
      %dma_start3A_209 = arith.constant 0 : i32
      %dma_start3A_210 = tpu.memref_slice %arg4[%add3A_201, %dma_start3A_209] : memref<204800x128xf32, #tpu.memory_space<hbm>> -> memref<64x128xf32, #tpu.memory_space<hbm>>
      %dma_start3A_211 = arith.constant 0 : i32
      %dma_start3A_212 = arith.constant 0 : i32
      %dma_start3A_213 = tpu.memref_slice %arg6[%dma_start3A_202, %dma_start3A_211, %dma_start3A_212] : memref<10x64x128xf32, #tpu.memory_space<vmem>> -> memref<1x64x128xf32, #tpu.memory_space<vmem>>
      %dma_start3A_214 = tpu.memref_squeeze %dma_start3A_213 : memref<1x64x128xf32, #tpu.memory_space<vmem>> -> memref<64x128xf32, #tpu.memory_space<vmem>>
      tpu.enqueue_dma source(%dma_start3A_214 : memref<64x128xf32, #tpu.memory_space<vmem>>) target(%dma_start3A_210 : memref<64x128xf32, #tpu.memory_space<hbm>>) target_semaphore(%arg18 : memref<!tpu.dma_semaphore, #tpu.memory_space<semaphore_mem>>)
      %mul3A_215 = arith.constant 10 : i32
      %mul3A_216 = arith.muli %scan3A_129, %mul3A_215 : i32
      %add3A_217 = arith.constant 2 : i32
      %add3A_218 = arith.addi %mul3A_216, %add3A_217 : i32
      %ge3A_219 = arith.constant 1 : i32
      %ge3A_220 = arith.cmpi sge, %add3A_218, %ge3A_219 : i32
      %convert_element_type3A_221 = arith.extui %ge3A_220 : i1 to i32
      %cond3A_222 = arith.constant 0 : i32
      %cond3A_223 = arith.cmpi ne, %convert_element_type3A_221, %cond3A_222 : i32
      scf.if %cond3A_223 {
        %sub3A_575 = arith.constant 1 : i32
        %sub3A_576 = arith.subi %add3A_218, %sub3A_575 : i32
        %mul3A_577 = arith.constant 64 : i32
        %mul3A_578 = arith.muli %sub3A_576, %mul3A_577 : i32
        %add3A_579 = arith.addi %mul3A_2, %mul3A_578 : i32
        %dma_wait3A_580 = arith.constant 1 : i32
        %dma_wait3A_581 = arith.constant 0 : i32
        %dma_wait3A_582 = arith.constant 0 : i32
        %dma_wait3A_583 = tpu.memref_slice %arg6[%dma_wait3A_580, %dma_wait3A_581, %dma_wait3A_582] : memref<10x64x128xf32, #tpu.memory_space<vmem>> -> memref<1x64x128xf32, #tpu.memory_space<vmem>>
        %dma_wait3A_584 = tpu.memref_squeeze %dma_wait3A_583 : memref<1x64x128xf32, #tpu.memory_space<vmem>> -> memref<64x128xf32, #tpu.memory_space<vmem>>
        %dma_wait3A_585 = arith.constant 0 : i32
        %dma_wait3A_586 = tpu.memref_slice %arg4[%add3A_579, %dma_wait3A_585] : memref<204800x128xf32, #tpu.memory_space<hbm>> -> memref<64x128xf32, #tpu.memory_space<hbm>>
        %dma_wait3A_587 = arith.constant 0 : i32
        %dma_wait3A_588 = tpu.memref_slice %arg4[%add3A_579, %dma_wait3A_587] : memref<204800x128xf32, #tpu.memory_space<hbm>> -> memref<64x128xf32, #tpu.memory_space<hbm>>
        %dma_wait3A_589 = arith.constant 0 : i32
        %dma_wait3A_590 = arith.constant 0 : i32
        %dma_wait3A_591 = tpu.memref_slice %arg6[%dma_wait3A_580, %dma_wait3A_589, %dma_wait3A_590] : memref<10x64x128xf32, #tpu.memory_space<vmem>> -> memref<1x64x128xf32, #tpu.memory_space<vmem>>
        %dma_wait3A_592 = tpu.memref_squeeze %dma_wait3A_591 : memref<1x64x128xf32, #tpu.memory_space<vmem>> -> memref<64x128xf32, #tpu.memory_space<vmem>>
        tpu.wait_dma2 semaphore(%arg18 : memref<!tpu.dma_semaphore, #tpu.memory_space<semaphore_mem>>) src(%dma_wait3A_592 : memref<64x128xf32, #tpu.memory_space<vmem>>) dst(%dma_wait3A_588 : memref<64x128xf32, #tpu.memory_space<hbm>>)
      } else {
      }
      %add3A_224 = arith.constant 10 : i32
      %add3A_225 = arith.addi %add3A_218, %add3A_224 : i32
      %sub3A_226 = arith.constant 1 : i32
      %sub3A_227 = arith.subi %add3A_225, %sub3A_226 : i32
      %lt3A_228 = arith.constant 100 : i32
      %lt3A_229 = arith.cmpi slt, %sub3A_227, %lt3A_228 : i32
      %convert_element_type3A_230 = arith.extui %lt3A_229 : i1 to i32
      %cond3A_231 = arith.constant 0 : i32
      %cond3A_232 = arith.cmpi ne, %convert_element_type3A_230, %cond3A_231 : i32
      scf.if %cond3A_232 {
        %add3A_575 = arith.constant 10 : i32
        %add3A_576 = arith.addi %add3A_218, %add3A_575 : i32
        %sub3A_577 = arith.constant 1 : i32
        %sub3A_578 = arith.subi %add3A_576, %sub3A_577 : i32
        %dma_start3A_579 = arith.constant 1 : i32
        %dma_start3A_580 = arith.constant 0 : i32
        %dma_start3A_581 = arith.constant 0 : i32
        %dma_start3A_582 = tpu.memref_slice %arg6[%dma_start3A_579, %dma_start3A_580, %dma_start3A_581] : memref<10x64x128xf32, #tpu.memory_space<vmem>> -> memref<1x64x128xf32, #tpu.memory_space<vmem>>
        %dma_start3A_583 = tpu.memref_squeeze %dma_start3A_582 : memref<1x64x128xf32, #tpu.memory_space<vmem>> -> memref<64x128xf32, #tpu.memory_space<vmem>>
        %dma_start3A_584 = arith.constant 0 : i32
        %dma_start3A_585 = tpu.memref_slice %arg5[%sub3A_578, %dma_start3A_584] : memref<100x64xi32, #tpu.memory_space<vmem>> -> memref<1x64xi32, #tpu.memory_space<vmem>>
        %dma_start3A_586 = tpu.memref_squeeze %dma_start3A_585 : memref<1x64xi32, #tpu.memory_space<vmem>> -> memref<64xi32, #tpu.memory_space<vmem>>
        %dma_start3A_587 = arith.constant 0 : i32
        %dma_start3A_588 = arith.constant 0 : i32
        %dma_start3A_589 = tpu.memref_slice %arg3[%dma_start3A_587, %dma_start3A_588] : memref<100000x128xf32, #tpu.memory_space<hbm>> -> memref<100000x128xf32, #tpu.memory_space<hbm>>
        tpu.enqueue_indirect_dma source(%dma_start3A_589 : memref<100000x128xf32, #tpu.memory_space<hbm>>) target(%dma_start3A_583 : memref<64x128xf32, #tpu.memory_space<vmem>>) offsets(%dma_start3A_586 : memref<64xi32, #tpu.memory_space<vmem>>) semaphore(%arg8 : memref<!tpu.dma_semaphore, #tpu.memory_space<semaphore_mem>>)
      } else {
      }
      %dma_wait3A_233 = arith.constant 2 : i32
      %dma_wait3A_234 = arith.constant 0 : i32
      %dma_wait3A_235 = arith.constant 0 : i32
      %dma_wait3A_236 = tpu.memref_slice %arg6[%dma_wait3A_233, %dma_wait3A_234, %dma_wait3A_235] : memref<10x64x128xf32, #tpu.memory_space<vmem>> -> memref<1x64x128xf32, #tpu.memory_space<vmem>>
      %dma_wait3A_237 = tpu.memref_squeeze %dma_wait3A_236 : memref<1x64x128xf32, #tpu.memory_space<vmem>> -> memref<64x128xf32, #tpu.memory_space<vmem>>
      %dma_wait3A_238 = arith.constant 0 : i32
      %dma_wait3A_239 = tpu.memref_slice %arg5[%add3A_218, %dma_wait3A_238] : memref<100x64xi32, #tpu.memory_space<vmem>> -> memref<1x64xi32, #tpu.memory_space<vmem>>
      %dma_wait3A_240 = tpu.memref_squeeze %dma_wait3A_239 : memref<1x64xi32, #tpu.memory_space<vmem>> -> memref<64xi32, #tpu.memory_space<vmem>>
      %dma_wait3A_241 = arith.constant 0 : i32
      %dma_wait3A_242 = arith.constant 0 : i32
      %dma_wait3A_243 = tpu.memref_slice %arg3[%dma_wait3A_241, %dma_wait3A_242] : memref<100000x128xf32, #tpu.memory_space<hbm>> -> memref<100000x128xf32, #tpu.memory_space<hbm>>
      tpu.wait_indirect_dma semaphore(%arg9 : memref<!tpu.dma_semaphore, #tpu.memory_space<semaphore_mem>>) src(%dma_wait3A_243 : memref<100000x128xf32, #tpu.memory_space<hbm>>) dst(%dma_wait3A_237 : memref<64x128xf32, #tpu.memory_space<vmem>>)
      %mul3A_244 = arith.constant 64 : i32
      %mul3A_245 = arith.muli %add3A_218, %mul3A_244 : i32
      %add3A_246 = arith.addi %mul3A_2, %mul3A_245 : i32
      %dma_start3A_247 = arith.constant 2 : i32
      %dma_start3A_248 = arith.constant 0 : i32
      %dma_start3A_249 = arith.constant 0 : i32
      %dma_start3A_250 = tpu.memref_slice %arg6[%dma_start3A_247, %dma_start3A_248, %dma_start3A_249] : memref<10x64x128xf32, #tpu.memory_space<vmem>> -> memref<1x64x128xf32, #tpu.memory_space<vmem>>
      %dma_start3A_251 = tpu.memref_squeeze %dma_start3A_250 : memref<1x64x128xf32, #tpu.memory_space<vmem>> -> memref<64x128xf32, #tpu.memory_space<vmem>>
      %dma_start3A_252 = arith.constant 0 : i32
      %dma_start3A_253 = tpu.memref_slice %arg4[%add3A_246, %dma_start3A_252] : memref<204800x128xf32, #tpu.memory_space<hbm>> -> memref<64x128xf32, #tpu.memory_space<hbm>>
      %dma_start3A_254 = arith.constant 0 : i32
      %dma_start3A_255 = tpu.memref_slice %arg4[%add3A_246, %dma_start3A_254] : memref<204800x128xf32, #tpu.memory_space<hbm>> -> memref<64x128xf32, #tpu.memory_space<hbm>>
      %dma_start3A_256 = arith.constant 0 : i32
      %dma_start3A_257 = arith.constant 0 : i32
      %dma_start3A_258 = tpu.memref_slice %arg6[%dma_start3A_247, %dma_start3A_256, %dma_start3A_257] : memref<10x64x128xf32, #tpu.memory_space<vmem>> -> memref<1x64x128xf32, #tpu.memory_space<vmem>>
      %dma_start3A_259 = tpu.memref_squeeze %dma_start3A_258 : memref<1x64x128xf32, #tpu.memory_space<vmem>> -> memref<64x128xf32, #tpu.memory_space<vmem>>
      tpu.enqueue_dma source(%dma_start3A_259 : memref<64x128xf32, #tpu.memory_space<vmem>>) target(%dma_start3A_255 : memref<64x128xf32, #tpu.memory_space<hbm>>) target_semaphore(%arg19 : memref<!tpu.dma_semaphore, #tpu.memory_space<semaphore_mem>>)
      %mul3A_260 = arith.constant 10 : i32
      %mul3A_261 = arith.muli %scan3A_129, %mul3A_260 : i32
      %add3A_262 = arith.constant 3 : i32
      %add3A_263 = arith.addi %mul3A_261, %add3A_262 : i32
      %ge3A_264 = arith.constant 1 : i32
      %ge3A_265 = arith.cmpi sge, %add3A_263, %ge3A_264 : i32
      %convert_element_type3A_266 = arith.extui %ge3A_265 : i1 to i32
      %cond3A_267 = arith.constant 0 : i32
      %cond3A_268 = arith.cmpi ne, %convert_element_type3A_266, %cond3A_267 : i32
      scf.if %cond3A_268 {
        %sub3A_575 = arith.constant 1 : i32
        %sub3A_576 = arith.subi %add3A_263, %sub3A_575 : i32
        %mul3A_577 = arith.constant 64 : i32
        %mul3A_578 = arith.muli %sub3A_576, %mul3A_577 : i32
        %add3A_579 = arith.addi %mul3A_2, %mul3A_578 : i32
        %dma_wait3A_580 = arith.constant 2 : i32
        %dma_wait3A_581 = arith.constant 0 : i32
        %dma_wait3A_582 = arith.constant 0 : i32
        %dma_wait3A_583 = tpu.memref_slice %arg6[%dma_wait3A_580, %dma_wait3A_581, %dma_wait3A_582] : memref<10x64x128xf32, #tpu.memory_space<vmem>> -> memref<1x64x128xf32, #tpu.memory_space<vmem>>
        %dma_wait3A_584 = tpu.memref_squeeze %dma_wait3A_583 : memref<1x64x128xf32, #tpu.memory_space<vmem>> -> memref<64x128xf32, #tpu.memory_space<vmem>>
        %dma_wait3A_585 = arith.constant 0 : i32
        %dma_wait3A_586 = tpu.memref_slice %arg4[%add3A_579, %dma_wait3A_585] : memref<204800x128xf32, #tpu.memory_space<hbm>> -> memref<64x128xf32, #tpu.memory_space<hbm>>
        %dma_wait3A_587 = arith.constant 0 : i32
        %dma_wait3A_588 = tpu.memref_slice %arg4[%add3A_579, %dma_wait3A_587] : memref<204800x128xf32, #tpu.memory_space<hbm>> -> memref<64x128xf32, #tpu.memory_space<hbm>>
        %dma_wait3A_589 = arith.constant 0 : i32
        %dma_wait3A_590 = arith.constant 0 : i32
        %dma_wait3A_591 = tpu.memref_slice %arg6[%dma_wait3A_580, %dma_wait3A_589, %dma_wait3A_590] : memref<10x64x128xf32, #tpu.memory_space<vmem>> -> memref<1x64x128xf32, #tpu.memory_space<vmem>>
        %dma_wait3A_592 = tpu.memref_squeeze %dma_wait3A_591 : memref<1x64x128xf32, #tpu.memory_space<vmem>> -> memref<64x128xf32, #tpu.memory_space<vmem>>
        tpu.wait_dma2 semaphore(%arg19 : memref<!tpu.dma_semaphore, #tpu.memory_space<semaphore_mem>>) src(%dma_wait3A_592 : memref<64x128xf32, #tpu.memory_space<vmem>>) dst(%dma_wait3A_588 : memref<64x128xf32, #tpu.memory_space<hbm>>)
      } else {
      }
      %add3A_269 = arith.constant 10 : i32
      %add3A_270 = arith.addi %add3A_263, %add3A_269 : i32
      %sub3A_271 = arith.constant 1 : i32
      %sub3A_272 = arith.subi %add3A_270, %sub3A_271 : i32
      %lt3A_273 = arith.constant 100 : i32
      %lt3A_274 = arith.cmpi slt, %sub3A_272, %lt3A_273 : i32
      %convert_element_type3A_275 = arith.extui %lt3A_274 : i1 to i32
      %cond3A_276 = arith.constant 0 : i32
      %cond3A_277 = arith.cmpi ne, %convert_element_type3A_275, %cond3A_276 : i32
      scf.if %cond3A_277 {
        %add3A_575 = arith.constant 10 : i32
        %add3A_576 = arith.addi %add3A_263, %add3A_575 : i32
        %sub3A_577 = arith.constant 1 : i32
        %sub3A_578 = arith.subi %add3A_576, %sub3A_577 : i32
        %dma_start3A_579 = arith.constant 2 : i32
        %dma_start3A_580 = arith.constant 0 : i32
        %dma_start3A_581 = arith.constant 0 : i32
        %dma_start3A_582 = tpu.memref_slice %arg6[%dma_start3A_579, %dma_start3A_580, %dma_start3A_581] : memref<10x64x128xf32, #tpu.memory_space<vmem>> -> memref<1x64x128xf32, #tpu.memory_space<vmem>>
        %dma_start3A_583 = tpu.memref_squeeze %dma_start3A_582 : memref<1x64x128xf32, #tpu.memory_space<vmem>> -> memref<64x128xf32, #tpu.memory_space<vmem>>
        %dma_start3A_584 = arith.constant 0 : i32
        %dma_start3A_585 = tpu.memref_slice %arg5[%sub3A_578, %dma_start3A_584] : memref<100x64xi32, #tpu.memory_space<vmem>> -> memref<1x64xi32, #tpu.memory_space<vmem>>
        %dma_start3A_586 = tpu.memref_squeeze %dma_start3A_585 : memref<1x64xi32, #tpu.memory_space<vmem>> -> memref<64xi32, #tpu.memory_space<vmem>>
        %dma_start3A_587 = arith.constant 0 : i32
        %dma_start3A_588 = arith.constant 0 : i32
        %dma_start3A_589 = tpu.memref_slice %arg3[%dma_start3A_587, %dma_start3A_588] : memref<100000x128xf32, #tpu.memory_space<hbm>> -> memref<100000x128xf32, #tpu.memory_space<hbm>>
        tpu.enqueue_indirect_dma source(%dma_start3A_589 : memref<100000x128xf32, #tpu.memory_space<hbm>>) target(%dma_start3A_583 : memref<64x128xf32, #tpu.memory_space<vmem>>) offsets(%dma_start3A_586 : memref<64xi32, #tpu.memory_space<vmem>>) semaphore(%arg9 : memref<!tpu.dma_semaphore, #tpu.memory_space<semaphore_mem>>)
      } else {
      }
      %dma_wait3A_278 = arith.constant 3 : i32
      %dma_wait3A_279 = arith.constant 0 : i32
      %dma_wait3A_280 = arith.constant 0 : i32
      %dma_wait3A_281 = tpu.memref_slice %arg6[%dma_wait3A_278, %dma_wait3A_279, %dma_wait3A_280] : memref<10x64x128xf32, #tpu.memory_space<vmem>> -> memref<1x64x128xf32, #tpu.memory_space<vmem>>
      %dma_wait3A_282 = tpu.memref_squeeze %dma_wait3A_281 : memref<1x64x128xf32, #tpu.memory_space<vmem>> -> memref<64x128xf32, #tpu.memory_space<vmem>>
      %dma_wait3A_283 = arith.constant 0 : i32
      %dma_wait3A_284 = tpu.memref_slice %arg5[%add3A_263, %dma_wait3A_283] : memref<100x64xi32, #tpu.memory_space<vmem>> -> memref<1x64xi32, #tpu.memory_space<vmem>>
      %dma_wait3A_285 = tpu.memref_squeeze %dma_wait3A_284 : memref<1x64xi32, #tpu.memory_space<vmem>> -> memref<64xi32, #tpu.memory_space<vmem>>
      %dma_wait3A_286 = arith.constant 0 : i32
      %dma_wait3A_287 = arith.constant 0 : i32
      %dma_wait3A_288 = tpu.memref_slice %arg3[%dma_wait3A_286, %dma_wait3A_287] : memref<100000x128xf32, #tpu.memory_space<hbm>> -> memref<100000x128xf32, #tpu.memory_space<hbm>>
      tpu.wait_indirect_dma semaphore(%arg10 : memref<!tpu.dma_semaphore, #tpu.memory_space<semaphore_mem>>) src(%dma_wait3A_288 : memref<100000x128xf32, #tpu.memory_space<hbm>>) dst(%dma_wait3A_282 : memref<64x128xf32, #tpu.memory_space<vmem>>)
      %mul3A_289 = arith.constant 64 : i32
      %mul3A_290 = arith.muli %add3A_263, %mul3A_289 : i32
      %add3A_291 = arith.addi %mul3A_2, %mul3A_290 : i32
      %dma_start3A_292 = arith.constant 3 : i32
      %dma_start3A_293 = arith.constant 0 : i32
      %dma_start3A_294 = arith.constant 0 : i32
      %dma_start3A_295 = tpu.memref_slice %arg6[%dma_start3A_292, %dma_start3A_293, %dma_start3A_294] : memref<10x64x128xf32, #tpu.memory_space<vmem>> -> memref<1x64x128xf32, #tpu.memory_space<vmem>>
      %dma_start3A_296 = tpu.memref_squeeze %dma_start3A_295 : memref<1x64x128xf32, #tpu.memory_space<vmem>> -> memref<64x128xf32, #tpu.memory_space<vmem>>
      %dma_start3A_297 = arith.constant 0 : i32
      %dma_start3A_298 = tpu.memref_slice %arg4[%add3A_291, %dma_start3A_297] : memref<204800x128xf32, #tpu.memory_space<hbm>> -> memref<64x128xf32, #tpu.memory_space<hbm>>
      %dma_start3A_299 = arith.constant 0 : i32
      %dma_start3A_300 = tpu.memref_slice %arg4[%add3A_291, %dma_start3A_299] : memref<204800x128xf32, #tpu.memory_space<hbm>> -> memref<64x128xf32, #tpu.memory_space<hbm>>
      %dma_start3A_301 = arith.constant 0 : i32
      %dma_start3A_302 = arith.constant 0 : i32
      %dma_start3A_303 = tpu.memref_slice %arg6[%dma_start3A_292, %dma_start3A_301, %dma_start3A_302] : memref<10x64x128xf32, #tpu.memory_space<vmem>> -> memref<1x64x128xf32, #tpu.memory_space<vmem>>
      %dma_start3A_304 = tpu.memref_squeeze %dma_start3A_303 : memref<1x64x128xf32, #tpu.memory_space<vmem>> -> memref<64x128xf32, #tpu.memory_space<vmem>>
      tpu.enqueue_dma source(%dma_start3A_304 : memref<64x128xf32, #tpu.memory_space<vmem>>) target(%dma_start3A_300 : memref<64x128xf32, #tpu.memory_space<hbm>>) target_semaphore(%arg20 : memref<!tpu.dma_semaphore, #tpu.memory_space<semaphore_mem>>)
      %mul3A_305 = arith.constant 10 : i32
      %mul3A_306 = arith.muli %scan3A_129, %mul3A_305 : i32
      %add3A_307 = arith.constant 4 : i32
      %add3A_308 = arith.addi %mul3A_306, %add3A_307 : i32
      %ge3A_309 = arith.constant 1 : i32
      %ge3A_310 = arith.cmpi sge, %add3A_308, %ge3A_309 : i32
      %convert_element_type3A_311 = arith.extui %ge3A_310 : i1 to i32
      %cond3A_312 = arith.constant 0 : i32
      %cond3A_313 = arith.cmpi ne, %convert_element_type3A_311, %cond3A_312 : i32
      scf.if %cond3A_313 {
        %sub3A_575 = arith.constant 1 : i32
        %sub3A_576 = arith.subi %add3A_308, %sub3A_575 : i32
        %mul3A_577 = arith.constant 64 : i32
        %mul3A_578 = arith.muli %sub3A_576, %mul3A_577 : i32
        %add3A_579 = arith.addi %mul3A_2, %mul3A_578 : i32
        %dma_wait3A_580 = arith.constant 3 : i32
        %dma_wait3A_581 = arith.constant 0 : i32
        %dma_wait3A_582 = arith.constant 0 : i32
        %dma_wait3A_583 = tpu.memref_slice %arg6[%dma_wait3A_580, %dma_wait3A_581, %dma_wait3A_582] : memref<10x64x128xf32, #tpu.memory_space<vmem>> -> memref<1x64x128xf32, #tpu.memory_space<vmem>>
        %dma_wait3A_584 = tpu.memref_squeeze %dma_wait3A_583 : memref<1x64x128xf32, #tpu.memory_space<vmem>> -> memref<64x128xf32, #tpu.memory_space<vmem>>
        %dma_wait3A_585 = arith.constant 0 : i32
        %dma_wait3A_586 = tpu.memref_slice %arg4[%add3A_579, %dma_wait3A_585] : memref<204800x128xf32, #tpu.memory_space<hbm>> -> memref<64x128xf32, #tpu.memory_space<hbm>>
        %dma_wait3A_587 = arith.constant 0 : i32
        %dma_wait3A_588 = tpu.memref_slice %arg4[%add3A_579, %dma_wait3A_587] : memref<204800x128xf32, #tpu.memory_space<hbm>> -> memref<64x128xf32, #tpu.memory_space<hbm>>
        %dma_wait3A_589 = arith.constant 0 : i32
        %dma_wait3A_590 = arith.constant 0 : i32
        %dma_wait3A_591 = tpu.memref_slice %arg6[%dma_wait3A_580, %dma_wait3A_589, %dma_wait3A_590] : memref<10x64x128xf32, #tpu.memory_space<vmem>> -> memref<1x64x128xf32, #tpu.memory_space<vmem>>
        %dma_wait3A_592 = tpu.memref_squeeze %dma_wait3A_591 : memref<1x64x128xf32, #tpu.memory_space<vmem>> -> memref<64x128xf32, #tpu.memory_space<vmem>>
        tpu.wait_dma2 semaphore(%arg20 : memref<!tpu.dma_semaphore, #tpu.memory_space<semaphore_mem>>) src(%dma_wait3A_592 : memref<64x128xf32, #tpu.memory_space<vmem>>) dst(%dma_wait3A_588 : memref<64x128xf32, #tpu.memory_space<hbm>>)
      } else {
      }
      %add3A_314 = arith.constant 10 : i32
      %add3A_315 = arith.addi %add3A_308, %add3A_314 : i32
      %sub3A_316 = arith.constant 1 : i32
      %sub3A_317 = arith.subi %add3A_315, %sub3A_316 : i32
      %lt3A_318 = arith.constant 100 : i32
      %lt3A_319 = arith.cmpi slt, %sub3A_317, %lt3A_318 : i32
      %convert_element_type3A_320 = arith.extui %lt3A_319 : i1 to i32
      %cond3A_321 = arith.constant 0 : i32
      %cond3A_322 = arith.cmpi ne, %convert_element_type3A_320, %cond3A_321 : i32
      scf.if %cond3A_322 {
        %add3A_575 = arith.constant 10 : i32
        %add3A_576 = arith.addi %add3A_308, %add3A_575 : i32
        %sub3A_577 = arith.constant 1 : i32
        %sub3A_578 = arith.subi %add3A_576, %sub3A_577 : i32
        %dma_start3A_579 = arith.constant 3 : i32
        %dma_start3A_580 = arith.constant 0 : i32
        %dma_start3A_581 = arith.constant 0 : i32
        %dma_start3A_582 = tpu.memref_slice %arg6[%dma_start3A_579, %dma_start3A_580, %dma_start3A_581] : memref<10x64x128xf32, #tpu.memory_space<vmem>> -> memref<1x64x128xf32, #tpu.memory_space<vmem>>
        %dma_start3A_583 = tpu.memref_squeeze %dma_start3A_582 : memref<1x64x128xf32, #tpu.memory_space<vmem>> -> memref<64x128xf32, #tpu.memory_space<vmem>>
        %dma_start3A_584 = arith.constant 0 : i32
        %dma_start3A_585 = tpu.memref_slice %arg5[%sub3A_578, %dma_start3A_584] : memref<100x64xi32, #tpu.memory_space<vmem>> -> memref<1x64xi32, #tpu.memory_space<vmem>>
        %dma_start3A_586 = tpu.memref_squeeze %dma_start3A_585 : memref<1x64xi32, #tpu.memory_space<vmem>> -> memref<64xi32, #tpu.memory_space<vmem>>
        %dma_start3A_587 = arith.constant 0 : i32
        %dma_start3A_588 = arith.constant 0 : i32
        %dma_start3A_589 = tpu.memref_slice %arg3[%dma_start3A_587, %dma_start3A_588] : memref<100000x128xf32, #tpu.memory_space<hbm>> -> memref<100000x128xf32, #tpu.memory_space<hbm>>
        tpu.enqueue_indirect_dma source(%dma_start3A_589 : memref<100000x128xf32, #tpu.memory_space<hbm>>) target(%dma_start3A_583 : memref<64x128xf32, #tpu.memory_space<vmem>>) offsets(%dma_start3A_586 : memref<64xi32, #tpu.memory_space<vmem>>) semaphore(%arg10 : memref<!tpu.dma_semaphore, #tpu.memory_space<semaphore_mem>>)
      } else {
      }
      %dma_wait3A_323 = arith.constant 4 : i32
      %dma_wait3A_324 = arith.constant 0 : i32
      %dma_wait3A_325 = arith.constant 0 : i32
      %dma_wait3A_326 = tpu.memref_slice %arg6[%dma_wait3A_323, %dma_wait3A_324, %dma_wait3A_325] : memref<10x64x128xf32, #tpu.memory_space<vmem>> -> memref<1x64x128xf32, #tpu.memory_space<vmem>>
      %dma_wait3A_327 = tpu.memref_squeeze %dma_wait3A_326 : memref<1x64x128xf32, #tpu.memory_space<vmem>> -> memref<64x128xf32, #tpu.memory_space<vmem>>
      %dma_wait3A_328 = arith.constant 0 : i32
      %dma_wait3A_329 = tpu.memref_slice %arg5[%add3A_308, %dma_wait3A_328] : memref<100x64xi32, #tpu.memory_space<vmem>> -> memref<1x64xi32, #tpu.memory_space<vmem>>
      %dma_wait3A_330 = tpu.memref_squeeze %dma_wait3A_329 : memref<1x64xi32, #tpu.memory_space<vmem>> -> memref<64xi32, #tpu.memory_space<vmem>>
      %dma_wait3A_331 = arith.constant 0 : i32
      %dma_wait3A_332 = arith.constant 0 : i32
      %dma_wait3A_333 = tpu.memref_slice %arg3[%dma_wait3A_331, %dma_wait3A_332] : memref<100000x128xf32, #tpu.memory_space<hbm>> -> memref<100000x128xf32, #tpu.memory_space<hbm>>
      tpu.wait_indirect_dma semaphore(%arg11 : memref<!tpu.dma_semaphore, #tpu.memory_space<semaphore_mem>>) src(%dma_wait3A_333 : memref<100000x128xf32, #tpu.memory_space<hbm>>) dst(%dma_wait3A_327 : memref<64x128xf32, #tpu.memory_space<vmem>>)
      %mul3A_334 = arith.constant 64 : i32
      %mul3A_335 = arith.muli %add3A_308, %mul3A_334 : i32
      %add3A_336 = arith.addi %mul3A_2, %mul3A_335 : i32
      %dma_start3A_337 = arith.constant 4 : i32
      %dma_start3A_338 = arith.constant 0 : i32
      %dma_start3A_339 = arith.constant 0 : i32
      %dma_start3A_340 = tpu.memref_slice %arg6[%dma_start3A_337, %dma_start3A_338, %dma_start3A_339] : memref<10x64x128xf32, #tpu.memory_space<vmem>> -> memref<1x64x128xf32, #tpu.memory_space<vmem>>
      %dma_start3A_341 = tpu.memref_squeeze %dma_start3A_340 : memref<1x64x128xf32, #tpu.memory_space<vmem>> -> memref<64x128xf32, #tpu.memory_space<vmem>>
      %dma_start3A_342 = arith.constant 0 : i32
      %dma_start3A_343 = tpu.memref_slice %arg4[%add3A_336, %dma_start3A_342] : memref<204800x128xf32, #tpu.memory_space<hbm>> -> memref<64x128xf32, #tpu.memory_space<hbm>>
      %dma_start3A_344 = arith.constant 0 : i32
      %dma_start3A_345 = tpu.memref_slice %arg4[%add3A_336, %dma_start3A_344] : memref<204800x128xf32, #tpu.memory_space<hbm>> -> memref<64x128xf32, #tpu.memory_space<hbm>>
      %dma_start3A_346 = arith.constant 0 : i32
      %dma_start3A_347 = arith.constant 0 : i32
      %dma_start3A_348 = tpu.memref_slice %arg6[%dma_start3A_337, %dma_start3A_346, %dma_start3A_347] : memref<10x64x128xf32, #tpu.memory_space<vmem>> -> memref<1x64x128xf32, #tpu.memory_space<vmem>>
      %dma_start3A_349 = tpu.memref_squeeze %dma_start3A_348 : memref<1x64x128xf32, #tpu.memory_space<vmem>> -> memref<64x128xf32, #tpu.memory_space<vmem>>
      tpu.enqueue_dma source(%dma_start3A_349 : memref<64x128xf32, #tpu.memory_space<vmem>>) target(%dma_start3A_345 : memref<64x128xf32, #tpu.memory_space<hbm>>) target_semaphore(%arg21 : memref<!tpu.dma_semaphore, #tpu.memory_space<semaphore_mem>>)
      %mul3A_350 = arith.constant 10 : i32
      %mul3A_351 = arith.muli %scan3A_129, %mul3A_350 : i32
      %add3A_352 = arith.constant 5 : i32
      %add3A_353 = arith.addi %mul3A_351, %add3A_352 : i32
      %ge3A_354 = arith.constant 1 : i32
      %ge3A_355 = arith.cmpi sge, %add3A_353, %ge3A_354 : i32
      %convert_element_type3A_356 = arith.extui %ge3A_355 : i1 to i32
      %cond3A_357 = arith.constant 0 : i32
      %cond3A_358 = arith.cmpi ne, %convert_element_type3A_356, %cond3A_357 : i32
      scf.if %cond3A_358 {
        %sub3A_575 = arith.constant 1 : i32
        %sub3A_576 = arith.subi %add3A_353, %sub3A_575 : i32
        %mul3A_577 = arith.constant 64 : i32
        %mul3A_578 = arith.muli %sub3A_576, %mul3A_577 : i32
        %add3A_579 = arith.addi %mul3A_2, %mul3A_578 : i32
        %dma_wait3A_580 = arith.constant 4 : i32
        %dma_wait3A_581 = arith.constant 0 : i32
        %dma_wait3A_582 = arith.constant 0 : i32
        %dma_wait3A_583 = tpu.memref_slice %arg6[%dma_wait3A_580, %dma_wait3A_581, %dma_wait3A_582] : memref<10x64x128xf32, #tpu.memory_space<vmem>> -> memref<1x64x128xf32, #tpu.memory_space<vmem>>
        %dma_wait3A_584 = tpu.memref_squeeze %dma_wait3A_583 : memref<1x64x128xf32, #tpu.memory_space<vmem>> -> memref<64x128xf32, #tpu.memory_space<vmem>>
        %dma_wait3A_585 = arith.constant 0 : i32
        %dma_wait3A_586 = tpu.memref_slice %arg4[%add3A_579, %dma_wait3A_585] : memref<204800x128xf32, #tpu.memory_space<hbm>> -> memref<64x128xf32, #tpu.memory_space<hbm>>
        %dma_wait3A_587 = arith.constant 0 : i32
        %dma_wait3A_588 = tpu.memref_slice %arg4[%add3A_579, %dma_wait3A_587] : memref<204800x128xf32, #tpu.memory_space<hbm>> -> memref<64x128xf32, #tpu.memory_space<hbm>>
        %dma_wait3A_589 = arith.constant 0 : i32
        %dma_wait3A_590 = arith.constant 0 : i32
        %dma_wait3A_591 = tpu.memref_slice %arg6[%dma_wait3A_580, %dma_wait3A_589, %dma_wait3A_590] : memref<10x64x128xf32, #tpu.memory_space<vmem>> -> memref<1x64x128xf32, #tpu.memory_space<vmem>>
        %dma_wait3A_592 = tpu.memref_squeeze %dma_wait3A_591 : memref<1x64x128xf32, #tpu.memory_space<vmem>> -> memref<64x128xf32, #tpu.memory_space<vmem>>
        tpu.wait_dma2 semaphore(%arg21 : memref<!tpu.dma_semaphore, #tpu.memory_space<semaphore_mem>>) src(%dma_wait3A_592 : memref<64x128xf32, #tpu.memory_space<vmem>>) dst(%dma_wait3A_588 : memref<64x128xf32, #tpu.memory_space<hbm>>)
      } else {
      }
      %add3A_359 = arith.constant 10 : i32
      %add3A_360 = arith.addi %add3A_353, %add3A_359 : i32
      %sub3A_361 = arith.constant 1 : i32
      %sub3A_362 = arith.subi %add3A_360, %sub3A_361 : i32
      %lt3A_363 = arith.constant 100 : i32
      %lt3A_364 = arith.cmpi slt, %sub3A_362, %lt3A_363 : i32
      %convert_element_type3A_365 = arith.extui %lt3A_364 : i1 to i32
      %cond3A_366 = arith.constant 0 : i32
      %cond3A_367 = arith.cmpi ne, %convert_element_type3A_365, %cond3A_366 : i32
      scf.if %cond3A_367 {
        %add3A_575 = arith.constant 10 : i32
        %add3A_576 = arith.addi %add3A_353, %add3A_575 : i32
        %sub3A_577 = arith.constant 1 : i32
        %sub3A_578 = arith.subi %add3A_576, %sub3A_577 : i32
        %dma_start3A_579 = arith.constant 4 : i32
        %dma_start3A_580 = arith.constant 0 : i32
        %dma_start3A_581 = arith.constant 0 : i32
        %dma_start3A_582 = tpu.memref_slice %arg6[%dma_start3A_579, %dma_start3A_580, %dma_start3A_581] : memref<10x64x128xf32, #tpu.memory_space<vmem>> -> memref<1x64x128xf32, #tpu.memory_space<vmem>>
        %dma_start3A_583 = tpu.memref_squeeze %dma_start3A_582 : memref<1x64x128xf32, #tpu.memory_space<vmem>> -> memref<64x128xf32, #tpu.memory_space<vmem>>
        %dma_start3A_584 = arith.constant 0 : i32
        %dma_start3A_585 = tpu.memref_slice %arg5[%sub3A_578, %dma_start3A_584] : memref<100x64xi32, #tpu.memory_space<vmem>> -> memref<1x64xi32, #tpu.memory_space<vmem>>
        %dma_start3A_586 = tpu.memref_squeeze %dma_start3A_585 : memref<1x64xi32, #tpu.memory_space<vmem>> -> memref<64xi32, #tpu.memory_space<vmem>>
        %dma_start3A_587 = arith.constant 0 : i32
        %dma_start3A_588 = arith.constant 0 : i32
        %dma_start3A_589 = tpu.memref_slice %arg3[%dma_start3A_587, %dma_start3A_588] : memref<100000x128xf32, #tpu.memory_space<hbm>> -> memref<100000x128xf32, #tpu.memory_space<hbm>>
        tpu.enqueue_indirect_dma source(%dma_start3A_589 : memref<100000x128xf32, #tpu.memory_space<hbm>>) target(%dma_start3A_583 : memref<64x128xf32, #tpu.memory_space<vmem>>) offsets(%dma_start3A_586 : memref<64xi32, #tpu.memory_space<vmem>>) semaphore(%arg11 : memref<!tpu.dma_semaphore, #tpu.memory_space<semaphore_mem>>)
      } else {
      }
      %dma_wait3A_368 = arith.constant 5 : i32
      %dma_wait3A_369 = arith.constant 0 : i32
      %dma_wait3A_370 = arith.constant 0 : i32
      %dma_wait3A_371 = tpu.memref_slice %arg6[%dma_wait3A_368, %dma_wait3A_369, %dma_wait3A_370] : memref<10x64x128xf32, #tpu.memory_space<vmem>> -> memref<1x64x128xf32, #tpu.memory_space<vmem>>
      %dma_wait3A_372 = tpu.memref_squeeze %dma_wait3A_371 : memref<1x64x128xf32, #tpu.memory_space<vmem>> -> memref<64x128xf32, #tpu.memory_space<vmem>>
      %dma_wait3A_373 = arith.constant 0 : i32
      %dma_wait3A_374 = tpu.memref_slice %arg5[%add3A_353, %dma_wait3A_373] : memref<100x64xi32, #tpu.memory_space<vmem>> -> memref<1x64xi32, #tpu.memory_space<vmem>>
      %dma_wait3A_375 = tpu.memref_squeeze %dma_wait3A_374 : memref<1x64xi32, #tpu.memory_space<vmem>> -> memref<64xi32, #tpu.memory_space<vmem>>
      %dma_wait3A_376 = arith.constant 0 : i32
      %dma_wait3A_377 = arith.constant 0 : i32
      %dma_wait3A_378 = tpu.memref_slice %arg3[%dma_wait3A_376, %dma_wait3A_377] : memref<100000x128xf32, #tpu.memory_space<hbm>> -> memref<100000x128xf32, #tpu.memory_space<hbm>>
      tpu.wait_indirect_dma semaphore(%arg12 : memref<!tpu.dma_semaphore, #tpu.memory_space<semaphore_mem>>) src(%dma_wait3A_378 : memref<100000x128xf32, #tpu.memory_space<hbm>>) dst(%dma_wait3A_372 : memref<64x128xf32, #tpu.memory_space<vmem>>)
      %mul3A_379 = arith.constant 64 : i32
      %mul3A_380 = arith.muli %add3A_353, %mul3A_379 : i32
      %add3A_381 = arith.addi %mul3A_2, %mul3A_380 : i32
      %dma_start3A_382 = arith.constant 5 : i32
      %dma_start3A_383 = arith.constant 0 : i32
      %dma_start3A_384 = arith.constant 0 : i32
      %dma_start3A_385 = tpu.memref_slice %arg6[%dma_start3A_382, %dma_start3A_383, %dma_start3A_384] : memref<10x64x128xf32, #tpu.memory_space<vmem>> -> memref<1x64x128xf32, #tpu.memory_space<vmem>>
      %dma_start3A_386 = tpu.memref_squeeze %dma_start3A_385 : memref<1x64x128xf32, #tpu.memory_space<vmem>> -> memref<64x128xf32, #tpu.memory_space<vmem>>
      %dma_start3A_387 = arith.constant 0 : i32
      %dma_start3A_388 = tpu.memref_slice %arg4[%add3A_381, %dma_start3A_387] : memref<204800x128xf32, #tpu.memory_space<hbm>> -> memref<64x128xf32, #tpu.memory_space<hbm>>
      %dma_start3A_389 = arith.constant 0 : i32
      %dma_start3A_390 = tpu.memref_slice %arg4[%add3A_381, %dma_start3A_389] : memref<204800x128xf32, #tpu.memory_space<hbm>> -> memref<64x128xf32, #tpu.memory_space<hbm>>
      %dma_start3A_391 = arith.constant 0 : i32
      %dma_start3A_392 = arith.constant 0 : i32
      %dma_start3A_393 = tpu.memref_slice %arg6[%dma_start3A_382, %dma_start3A_391, %dma_start3A_392] : memref<10x64x128xf32, #tpu.memory_space<vmem>> -> memref<1x64x128xf32, #tpu.memory_space<vmem>>
      %dma_start3A_394 = tpu.memref_squeeze %dma_start3A_393 : memref<1x64x128xf32, #tpu.memory_space<vmem>> -> memref<64x128xf32, #tpu.memory_space<vmem>>
      tpu.enqueue_dma source(%dma_start3A_394 : memref<64x128xf32, #tpu.memory_space<vmem>>) target(%dma_start3A_390 : memref<64x128xf32, #tpu.memory_space<hbm>>) target_semaphore(%arg22 : memref<!tpu.dma_semaphore, #tpu.memory_space<semaphore_mem>>)
      %mul3A_395 = arith.constant 10 : i32
      %mul3A_396 = arith.muli %scan3A_129, %mul3A_395 : i32
      %add3A_397 = arith.constant 6 : i32
      %add3A_398 = arith.addi %mul3A_396, %add3A_397 : i32
      %ge3A_399 = arith.constant 1 : i32
      %ge3A_400 = arith.cmpi sge, %add3A_398, %ge3A_399 : i32
      %convert_element_type3A_401 = arith.extui %ge3A_400 : i1 to i32
      %cond3A_402 = arith.constant 0 : i32
      %cond3A_403 = arith.cmpi ne, %convert_element_type3A_401, %cond3A_402 : i32
      scf.if %cond3A_403 {
        %sub3A_575 = arith.constant 1 : i32
        %sub3A_576 = arith.subi %add3A_398, %sub3A_575 : i32
        %mul3A_577 = arith.constant 64 : i32
        %mul3A_578 = arith.muli %sub3A_576, %mul3A_577 : i32
        %add3A_579 = arith.addi %mul3A_2, %mul3A_578 : i32
        %dma_wait3A_580 = arith.constant 5 : i32
        %dma_wait3A_581 = arith.constant 0 : i32
        %dma_wait3A_582 = arith.constant 0 : i32
        %dma_wait3A_583 = tpu.memref_slice %arg6[%dma_wait3A_580, %dma_wait3A_581, %dma_wait3A_582] : memref<10x64x128xf32, #tpu.memory_space<vmem>> -> memref<1x64x128xf32, #tpu.memory_space<vmem>>
        %dma_wait3A_584 = tpu.memref_squeeze %dma_wait3A_583 : memref<1x64x128xf32, #tpu.memory_space<vmem>> -> memref<64x128xf32, #tpu.memory_space<vmem>>
        %dma_wait3A_585 = arith.constant 0 : i32
        %dma_wait3A_586 = tpu.memref_slice %arg4[%add3A_579, %dma_wait3A_585] : memref<204800x128xf32, #tpu.memory_space<hbm>> -> memref<64x128xf32, #tpu.memory_space<hbm>>
        %dma_wait3A_587 = arith.constant 0 : i32
        %dma_wait3A_588 = tpu.memref_slice %arg4[%add3A_579, %dma_wait3A_587] : memref<204800x128xf32, #tpu.memory_space<hbm>> -> memref<64x128xf32, #tpu.memory_space<hbm>>
        %dma_wait3A_589 = arith.constant 0 : i32
        %dma_wait3A_590 = arith.constant 0 : i32
        %dma_wait3A_591 = tpu.memref_slice %arg6[%dma_wait3A_580, %dma_wait3A_589, %dma_wait3A_590] : memref<10x64x128xf32, #tpu.memory_space<vmem>> -> memref<1x64x128xf32, #tpu.memory_space<vmem>>
        %dma_wait3A_592 = tpu.memref_squeeze %dma_wait3A_591 : memref<1x64x128xf32, #tpu.memory_space<vmem>> -> memref<64x128xf32, #tpu.memory_space<vmem>>
        tpu.wait_dma2 semaphore(%arg22 : memref<!tpu.dma_semaphore, #tpu.memory_space<semaphore_mem>>) src(%dma_wait3A_592 : memref<64x128xf32, #tpu.memory_space<vmem>>) dst(%dma_wait3A_588 : memref<64x128xf32, #tpu.memory_space<hbm>>)
      } else {
      }
      %add3A_404 = arith.constant 10 : i32
      %add3A_405 = arith.addi %add3A_398, %add3A_404 : i32
      %sub3A_406 = arith.constant 1 : i32
      %sub3A_407 = arith.subi %add3A_405, %sub3A_406 : i32
      %lt3A_408 = arith.constant 100 : i32
      %lt3A_409 = arith.cmpi slt, %sub3A_407, %lt3A_408 : i32
      %convert_element_type3A_410 = arith.extui %lt3A_409 : i1 to i32
      %cond3A_411 = arith.constant 0 : i32
      %cond3A_412 = arith.cmpi ne, %convert_element_type3A_410, %cond3A_411 : i32
      scf.if %cond3A_412 {
        %add3A_575 = arith.constant 10 : i32
        %add3A_576 = arith.addi %add3A_398, %add3A_575 : i32
        %sub3A_577 = arith.constant 1 : i32
        %sub3A_578 = arith.subi %add3A_576, %sub3A_577 : i32
        %dma_start3A_579 = arith.constant 5 : i32
        %dma_start3A_580 = arith.constant 0 : i32
        %dma_start3A_581 = arith.constant 0 : i32
        %dma_start3A_582 = tpu.memref_slice %arg6[%dma_start3A_579, %dma_start3A_580, %dma_start3A_581] : memref<10x64x128xf32, #tpu.memory_space<vmem>> -> memref<1x64x128xf32, #tpu.memory_space<vmem>>
        %dma_start3A_583 = tpu.memref_squeeze %dma_start3A_582 : memref<1x64x128xf32, #tpu.memory_space<vmem>> -> memref<64x128xf32, #tpu.memory_space<vmem>>
        %dma_start3A_584 = arith.constant 0 : i32
        %dma_start3A_585 = tpu.memref_slice %arg5[%sub3A_578, %dma_start3A_584] : memref<100x64xi32, #tpu.memory_space<vmem>> -> memref<1x64xi32, #tpu.memory_space<vmem>>
        %dma_start3A_586 = tpu.memref_squeeze %dma_start3A_585 : memref<1x64xi32, #tpu.memory_space<vmem>> -> memref<64xi32, #tpu.memory_space<vmem>>
        %dma_start3A_587 = arith.constant 0 : i32
        %dma_start3A_588 = arith.constant 0 : i32
        %dma_start3A_589 = tpu.memref_slice %arg3[%dma_start3A_587, %dma_start3A_588] : memref<100000x128xf32, #tpu.memory_space<hbm>> -> memref<100000x128xf32, #tpu.memory_space<hbm>>
        tpu.enqueue_indirect_dma source(%dma_start3A_589 : memref<100000x128xf32, #tpu.memory_space<hbm>>) target(%dma_start3A_583 : memref<64x128xf32, #tpu.memory_space<vmem>>) offsets(%dma_start3A_586 : memref<64xi32, #tpu.memory_space<vmem>>) semaphore(%arg12 : memref<!tpu.dma_semaphore, #tpu.memory_space<semaphore_mem>>)
      } else {
      }
      %dma_wait3A_413 = arith.constant 6 : i32
      %dma_wait3A_414 = arith.constant 0 : i32
      %dma_wait3A_415 = arith.constant 0 : i32
      %dma_wait3A_416 = tpu.memref_slice %arg6[%dma_wait3A_413, %dma_wait3A_414, %dma_wait3A_415] : memref<10x64x128xf32, #tpu.memory_space<vmem>> -> memref<1x64x128xf32, #tpu.memory_space<vmem>>
      %dma_wait3A_417 = tpu.memref_squeeze %dma_wait3A_416 : memref<1x64x128xf32, #tpu.memory_space<vmem>> -> memref<64x128xf32, #tpu.memory_space<vmem>>
      %dma_wait3A_418 = arith.constant 0 : i32
      %dma_wait3A_419 = tpu.memref_slice %arg5[%add3A_398, %dma_wait3A_418] : memref<100x64xi32, #tpu.memory_space<vmem>> -> memref<1x64xi32, #tpu.memory_space<vmem>>
      %dma_wait3A_420 = tpu.memref_squeeze %dma_wait3A_419 : memref<1x64xi32, #tpu.memory_space<vmem>> -> memref<64xi32, #tpu.memory_space<vmem>>
      %dma_wait3A_421 = arith.constant 0 : i32
      %dma_wait3A_422 = arith.constant 0 : i32
      %dma_wait3A_423 = tpu.memref_slice %arg3[%dma_wait3A_421, %dma_wait3A_422] : memref<100000x128xf32, #tpu.memory_space<hbm>> -> memref<100000x128xf32, #tpu.memory_space<hbm>>
      tpu.wait_indirect_dma semaphore(%arg13 : memref<!tpu.dma_semaphore, #tpu.memory_space<semaphore_mem>>) src(%dma_wait3A_423 : memref<100000x128xf32, #tpu.memory_space<hbm>>) dst(%dma_wait3A_417 : memref<64x128xf32, #tpu.memory_space<vmem>>)
      %mul3A_424 = arith.constant 64 : i32
      %mul3A_425 = arith.muli %add3A_398, %mul3A_424 : i32
      %add3A_426 = arith.addi %mul3A_2, %mul3A_425 : i32
      %dma_start3A_427 = arith.constant 6 : i32
      %dma_start3A_428 = arith.constant 0 : i32
      %dma_start3A_429 = arith.constant 0 : i32
      %dma_start3A_430 = tpu.memref_slice %arg6[%dma_start3A_427, %dma_start3A_428, %dma_start3A_429] : memref<10x64x128xf32, #tpu.memory_space<vmem>> -> memref<1x64x128xf32, #tpu.memory_space<vmem>>
      %dma_start3A_431 = tpu.memref_squeeze %dma_start3A_430 : memref<1x64x128xf32, #tpu.memory_space<vmem>> -> memref<64x128xf32, #tpu.memory_space<vmem>>
      %dma_start3A_432 = arith.constant 0 : i32
      %dma_start3A_433 = tpu.memref_slice %arg4[%add3A_426, %dma_start3A_432] : memref<204800x128xf32, #tpu.memory_space<hbm>> -> memref<64x128xf32, #tpu.memory_space<hbm>>
      %dma_start3A_434 = arith.constant 0 : i32
      %dma_start3A_435 = tpu.memref_slice %arg4[%add3A_426, %dma_start3A_434] : memref<204800x128xf32, #tpu.memory_space<hbm>> -> memref<64x128xf32, #tpu.memory_space<hbm>>
      %dma_start3A_436 = arith.constant 0 : i32
      %dma_start3A_437 = arith.constant 0 : i32
      %dma_start3A_438 = tpu.memref_slice %arg6[%dma_start3A_427, %dma_start3A_436, %dma_start3A_437] : memref<10x64x128xf32, #tpu.memory_space<vmem>> -> memref<1x64x128xf32, #tpu.memory_space<vmem>>
      %dma_start3A_439 = tpu.memref_squeeze %dma_start3A_438 : memref<1x64x128xf32, #tpu.memory_space<vmem>> -> memref<64x128xf32, #tpu.memory_space<vmem>>
      tpu.enqueue_dma source(%dma_start3A_439 : memref<64x128xf32, #tpu.memory_space<vmem>>) target(%dma_start3A_435 : memref<64x128xf32, #tpu.memory_space<hbm>>) target_semaphore(%arg23 : memref<!tpu.dma_semaphore, #tpu.memory_space<semaphore_mem>>)
      %mul3A_440 = arith.constant 10 : i32
      %mul3A_441 = arith.muli %scan3A_129, %mul3A_440 : i32
      %add3A_442 = arith.constant 7 : i32
      %add3A_443 = arith.addi %mul3A_441, %add3A_442 : i32
      %ge3A_444 = arith.constant 1 : i32
      %ge3A_445 = arith.cmpi sge, %add3A_443, %ge3A_444 : i32
      %convert_element_type3A_446 = arith.extui %ge3A_445 : i1 to i32
      %cond3A_447 = arith.constant 0 : i32
      %cond3A_448 = arith.cmpi ne, %convert_element_type3A_446, %cond3A_447 : i32
      scf.if %cond3A_448 {
        %sub3A_575 = arith.constant 1 : i32
        %sub3A_576 = arith.subi %add3A_443, %sub3A_575 : i32
        %mul3A_577 = arith.constant 64 : i32
        %mul3A_578 = arith.muli %sub3A_576, %mul3A_577 : i32
        %add3A_579 = arith.addi %mul3A_2, %mul3A_578 : i32
        %dma_wait3A_580 = arith.constant 6 : i32
        %dma_wait3A_581 = arith.constant 0 : i32
        %dma_wait3A_582 = arith.constant 0 : i32
        %dma_wait3A_583 = tpu.memref_slice %arg6[%dma_wait3A_580, %dma_wait3A_581, %dma_wait3A_582] : memref<10x64x128xf32, #tpu.memory_space<vmem>> -> memref<1x64x128xf32, #tpu.memory_space<vmem>>
        %dma_wait3A_584 = tpu.memref_squeeze %dma_wait3A_583 : memref<1x64x128xf32, #tpu.memory_space<vmem>> -> memref<64x128xf32, #tpu.memory_space<vmem>>
        %dma_wait3A_585 = arith.constant 0 : i32
        %dma_wait3A_586 = tpu.memref_slice %arg4[%add3A_579, %dma_wait3A_585] : memref<204800x128xf32, #tpu.memory_space<hbm>> -> memref<64x128xf32, #tpu.memory_space<hbm>>
        %dma_wait3A_587 = arith.constant 0 : i32
        %dma_wait3A_588 = tpu.memref_slice %arg4[%add3A_579, %dma_wait3A_587] : memref<204800x128xf32, #tpu.memory_space<hbm>> -> memref<64x128xf32, #tpu.memory_space<hbm>>
        %dma_wait3A_589 = arith.constant 0 : i32
        %dma_wait3A_590 = arith.constant 0 : i32
        %dma_wait3A_591 = tpu.memref_slice %arg6[%dma_wait3A_580, %dma_wait3A_589, %dma_wait3A_590] : memref<10x64x128xf32, #tpu.memory_space<vmem>> -> memref<1x64x128xf32, #tpu.memory_space<vmem>>
        %dma_wait3A_592 = tpu.memref_squeeze %dma_wait3A_591 : memref<1x64x128xf32, #tpu.memory_space<vmem>> -> memref<64x128xf32, #tpu.memory_space<vmem>>
        tpu.wait_dma2 semaphore(%arg23 : memref<!tpu.dma_semaphore, #tpu.memory_space<semaphore_mem>>) src(%dma_wait3A_592 : memref<64x128xf32, #tpu.memory_space<vmem>>) dst(%dma_wait3A_588 : memref<64x128xf32, #tpu.memory_space<hbm>>)
      } else {
      }
      %add3A_449 = arith.constant 10 : i32
      %add3A_450 = arith.addi %add3A_443, %add3A_449 : i32
      %sub3A_451 = arith.constant 1 : i32
      %sub3A_452 = arith.subi %add3A_450, %sub3A_451 : i32
      %lt3A_453 = arith.constant 100 : i32
      %lt3A_454 = arith.cmpi slt, %sub3A_452, %lt3A_453 : i32
      %convert_element_type3A_455 = arith.extui %lt3A_454 : i1 to i32
      %cond3A_456 = arith.constant 0 : i32
      %cond3A_457 = arith.cmpi ne, %convert_element_type3A_455, %cond3A_456 : i32
      scf.if %cond3A_457 {
        %add3A_575 = arith.constant 10 : i32
        %add3A_576 = arith.addi %add3A_443, %add3A_575 : i32
        %sub3A_577 = arith.constant 1 : i32
        %sub3A_578 = arith.subi %add3A_576, %sub3A_577 : i32
        %dma_start3A_579 = arith.constant 6 : i32
        %dma_start3A_580 = arith.constant 0 : i32
        %dma_start3A_581 = arith.constant 0 : i32
        %dma_start3A_582 = tpu.memref_slice %arg6[%dma_start3A_579, %dma_start3A_580, %dma_start3A_581] : memref<10x64x128xf32, #tpu.memory_space<vmem>> -> memref<1x64x128xf32, #tpu.memory_space<vmem>>
        %dma_start3A_583 = tpu.memref_squeeze %dma_start3A_582 : memref<1x64x128xf32, #tpu.memory_space<vmem>> -> memref<64x128xf32, #tpu.memory_space<vmem>>
        %dma_start3A_584 = arith.constant 0 : i32
        %dma_start3A_585 = tpu.memref_slice %arg5[%sub3A_578, %dma_start3A_584] : memref<100x64xi32, #tpu.memory_space<vmem>> -> memref<1x64xi32, #tpu.memory_space<vmem>>
        %dma_start3A_586 = tpu.memref_squeeze %dma_start3A_585 : memref<1x64xi32, #tpu.memory_space<vmem>> -> memref<64xi32, #tpu.memory_space<vmem>>
        %dma_start3A_587 = arith.constant 0 : i32
        %dma_start3A_588 = arith.constant 0 : i32
        %dma_start3A_589 = tpu.memref_slice %arg3[%dma_start3A_587, %dma_start3A_588] : memref<100000x128xf32, #tpu.memory_space<hbm>> -> memref<100000x128xf32, #tpu.memory_space<hbm>>
        tpu.enqueue_indirect_dma source(%dma_start3A_589 : memref<100000x128xf32, #tpu.memory_space<hbm>>) target(%dma_start3A_583 : memref<64x128xf32, #tpu.memory_space<vmem>>) offsets(%dma_start3A_586 : memref<64xi32, #tpu.memory_space<vmem>>) semaphore(%arg13 : memref<!tpu.dma_semaphore, #tpu.memory_space<semaphore_mem>>)
      } else {
      }
      %dma_wait3A_458 = arith.constant 7 : i32
      %dma_wait3A_459 = arith.constant 0 : i32
      %dma_wait3A_460 = arith.constant 0 : i32
      %dma_wait3A_461 = tpu.memref_slice %arg6[%dma_wait3A_458, %dma_wait3A_459, %dma_wait3A_460] : memref<10x64x128xf32, #tpu.memory_space<vmem>> -> memref<1x64x128xf32, #tpu.memory_space<vmem>>
      %dma_wait3A_462 = tpu.memref_squeeze %dma_wait3A_461 : memref<1x64x128xf32, #tpu.memory_space<vmem>> -> memref<64x128xf32, #tpu.memory_space<vmem>>
      %dma_wait3A_463 = arith.constant 0 : i32
      %dma_wait3A_464 = tpu.memref_slice %arg5[%add3A_443, %dma_wait3A_463] : memref<100x64xi32, #tpu.memory_space<vmem>> -> memref<1x64xi32, #tpu.memory_space<vmem>>
      %dma_wait3A_465 = tpu.memref_squeeze %dma_wait3A_464 : memref<1x64xi32, #tpu.memory_space<vmem>> -> memref<64xi32, #tpu.memory_space<vmem>>
      %dma_wait3A_466 = arith.constant 0 : i32
      %dma_wait3A_467 = arith.constant 0 : i32
      %dma_wait3A_468 = tpu.memref_slice %arg3[%dma_wait3A_466, %dma_wait3A_467] : memref<100000x128xf32, #tpu.memory_space<hbm>> -> memref<100000x128xf32, #tpu.memory_space<hbm>>
      tpu.wait_indirect_dma semaphore(%arg14 : memref<!tpu.dma_semaphore, #tpu.memory_space<semaphore_mem>>) src(%dma_wait3A_468 : memref<100000x128xf32, #tpu.memory_space<hbm>>) dst(%dma_wait3A_462 : memref<64x128xf32, #tpu.memory_space<vmem>>)
      %mul3A_469 = arith.constant 64 : i32
      %mul3A_470 = arith.muli %add3A_443, %mul3A_469 : i32
      %add3A_471 = arith.addi %mul3A_2, %mul3A_470 : i32
      %dma_start3A_472 = arith.constant 7 : i32
      %dma_start3A_473 = arith.constant 0 : i32
      %dma_start3A_474 = arith.constant 0 : i32
      %dma_start3A_475 = tpu.memref_slice %arg6[%dma_start3A_472, %dma_start3A_473, %dma_start3A_474] : memref<10x64x128xf32, #tpu.memory_space<vmem>> -> memref<1x64x128xf32, #tpu.memory_space<vmem>>
      %dma_start3A_476 = tpu.memref_squeeze %dma_start3A_475 : memref<1x64x128xf32, #tpu.memory_space<vmem>> -> memref<64x128xf32, #tpu.memory_space<vmem>>
      %dma_start3A_477 = arith.constant 0 : i32
      %dma_start3A_478 = tpu.memref_slice %arg4[%add3A_471, %dma_start3A_477] : memref<204800x128xf32, #tpu.memory_space<hbm>> -> memref<64x128xf32, #tpu.memory_space<hbm>>
      %dma_start3A_479 = arith.constant 0 : i32
      %dma_start3A_480 = tpu.memref_slice %arg4[%add3A_471, %dma_start3A_479] : memref<204800x128xf32, #tpu.memory_space<hbm>> -> memref<64x128xf32, #tpu.memory_space<hbm>>
      %dma_start3A_481 = arith.constant 0 : i32
      %dma_start3A_482 = arith.constant 0 : i32
      %dma_start3A_483 = tpu.memref_slice %arg6[%dma_start3A_472, %dma_start3A_481, %dma_start3A_482] : memref<10x64x128xf32, #tpu.memory_space<vmem>> -> memref<1x64x128xf32, #tpu.memory_space<vmem>>
      %dma_start3A_484 = tpu.memref_squeeze %dma_start3A_483 : memref<1x64x128xf32, #tpu.memory_space<vmem>> -> memref<64x128xf32, #tpu.memory_space<vmem>>
      tpu.enqueue_dma source(%dma_start3A_484 : memref<64x128xf32, #tpu.memory_space<vmem>>) target(%dma_start3A_480 : memref<64x128xf32, #tpu.memory_space<hbm>>) target_semaphore(%arg24 : memref<!tpu.dma_semaphore, #tpu.memory_space<semaphore_mem>>)
      %mul3A_485 = arith.constant 10 : i32
      %mul3A_486 = arith.muli %scan3A_129, %mul3A_485 : i32
      %add3A_487 = arith.constant 8 : i32
      %add3A_488 = arith.addi %mul3A_486, %add3A_487 : i32
      %ge3A_489 = arith.constant 1 : i32
      %ge3A_490 = arith.cmpi sge, %add3A_488, %ge3A_489 : i32
      %convert_element_type3A_491 = arith.extui %ge3A_490 : i1 to i32
      %cond3A_492 = arith.constant 0 : i32
      %cond3A_493 = arith.cmpi ne, %convert_element_type3A_491, %cond3A_492 : i32
      scf.if %cond3A_493 {
        %sub3A_575 = arith.constant 1 : i32
        %sub3A_576 = arith.subi %add3A_488, %sub3A_575 : i32
        %mul3A_577 = arith.constant 64 : i32
        %mul3A_578 = arith.muli %sub3A_576, %mul3A_577 : i32
        %add3A_579 = arith.addi %mul3A_2, %mul3A_578 : i32
        %dma_wait3A_580 = arith.constant 7 : i32
        %dma_wait3A_581 = arith.constant 0 : i32
        %dma_wait3A_582 = arith.constant 0 : i32
        %dma_wait3A_583 = tpu.memref_slice %arg6[%dma_wait3A_580, %dma_wait3A_581, %dma_wait3A_582] : memref<10x64x128xf32, #tpu.memory_space<vmem>> -> memref<1x64x128xf32, #tpu.memory_space<vmem>>
        %dma_wait3A_584 = tpu.memref_squeeze %dma_wait3A_583 : memref<1x64x128xf32, #tpu.memory_space<vmem>> -> memref<64x128xf32, #tpu.memory_space<vmem>>
        %dma_wait3A_585 = arith.constant 0 : i32
        %dma_wait3A_586 = tpu.memref_slice %arg4[%add3A_579, %dma_wait3A_585] : memref<204800x128xf32, #tpu.memory_space<hbm>> -> memref<64x128xf32, #tpu.memory_space<hbm>>
        %dma_wait3A_587 = arith.constant 0 : i32
        %dma_wait3A_588 = tpu.memref_slice %arg4[%add3A_579, %dma_wait3A_587] : memref<204800x128xf32, #tpu.memory_space<hbm>> -> memref<64x128xf32, #tpu.memory_space<hbm>>
        %dma_wait3A_589 = arith.constant 0 : i32
        %dma_wait3A_590 = arith.constant 0 : i32
        %dma_wait3A_591 = tpu.memref_slice %arg6[%dma_wait3A_580, %dma_wait3A_589, %dma_wait3A_590] : memref<10x64x128xf32, #tpu.memory_space<vmem>> -> memref<1x64x128xf32, #tpu.memory_space<vmem>>
        %dma_wait3A_592 = tpu.memref_squeeze %dma_wait3A_591 : memref<1x64x128xf32, #tpu.memory_space<vmem>> -> memref<64x128xf32, #tpu.memory_space<vmem>>
        tpu.wait_dma2 semaphore(%arg24 : memref<!tpu.dma_semaphore, #tpu.memory_space<semaphore_mem>>) src(%dma_wait3A_592 : memref<64x128xf32, #tpu.memory_space<vmem>>) dst(%dma_wait3A_588 : memref<64x128xf32, #tpu.memory_space<hbm>>)
      } else {
      }
      %add3A_494 = arith.constant 10 : i32
      %add3A_495 = arith.addi %add3A_488, %add3A_494 : i32
      %sub3A_496 = arith.constant 1 : i32
      %sub3A_497 = arith.subi %add3A_495, %sub3A_496 : i32
      %lt3A_498 = arith.constant 100 : i32
      %lt3A_499 = arith.cmpi slt, %sub3A_497, %lt3A_498 : i32
      %convert_element_type3A_500 = arith.extui %lt3A_499 : i1 to i32
      %cond3A_501 = arith.constant 0 : i32
      %cond3A_502 = arith.cmpi ne, %convert_element_type3A_500, %cond3A_501 : i32
      scf.if %cond3A_502 {
        %add3A_575 = arith.constant 10 : i32
        %add3A_576 = arith.addi %add3A_488, %add3A_575 : i32
        %sub3A_577 = arith.constant 1 : i32
        %sub3A_578 = arith.subi %add3A_576, %sub3A_577 : i32
        %dma_start3A_579 = arith.constant 7 : i32
        %dma_start3A_580 = arith.constant 0 : i32
        %dma_start3A_581 = arith.constant 0 : i32
        %dma_start3A_582 = tpu.memref_slice %arg6[%dma_start3A_579, %dma_start3A_580, %dma_start3A_581] : memref<10x64x128xf32, #tpu.memory_space<vmem>> -> memref<1x64x128xf32, #tpu.memory_space<vmem>>
        %dma_start3A_583 = tpu.memref_squeeze %dma_start3A_582 : memref<1x64x128xf32, #tpu.memory_space<vmem>> -> memref<64x128xf32, #tpu.memory_space<vmem>>
        %dma_start3A_584 = arith.constant 0 : i32
        %dma_start3A_585 = tpu.memref_slice %arg5[%sub3A_578, %dma_start3A_584] : memref<100x64xi32, #tpu.memory_space<vmem>> -> memref<1x64xi32, #tpu.memory_space<vmem>>
        %dma_start3A_586 = tpu.memref_squeeze %dma_start3A_585 : memref<1x64xi32, #tpu.memory_space<vmem>> -> memref<64xi32, #tpu.memory_space<vmem>>
        %dma_start3A_587 = arith.constant 0 : i32
        %dma_start3A_588 = arith.constant 0 : i32
        %dma_start3A_589 = tpu.memref_slice %arg3[%dma_start3A_587, %dma_start3A_588] : memref<100000x128xf32, #tpu.memory_space<hbm>> -> memref<100000x128xf32, #tpu.memory_space<hbm>>
        tpu.enqueue_indirect_dma source(%dma_start3A_589 : memref<100000x128xf32, #tpu.memory_space<hbm>>) target(%dma_start3A_583 : memref<64x128xf32, #tpu.memory_space<vmem>>) offsets(%dma_start3A_586 : memref<64xi32, #tpu.memory_space<vmem>>) semaphore(%arg14 : memref<!tpu.dma_semaphore, #tpu.memory_space<semaphore_mem>>)
      } else {
      }
      %dma_wait3A_503 = arith.constant 8 : i32
      %dma_wait3A_504 = arith.constant 0 : i32
      %dma_wait3A_505 = arith.constant 0 : i32
      %dma_wait3A_506 = tpu.memref_slice %arg6[%dma_wait3A_503, %dma_wait3A_504, %dma_wait3A_505] : memref<10x64x128xf32, #tpu.memory_space<vmem>> -> memref<1x64x128xf32, #tpu.memory_space<vmem>>
      %dma_wait3A_507 = tpu.memref_squeeze %dma_wait3A_506 : memref<1x64x128xf32, #tpu.memory_space<vmem>> -> memref<64x128xf32, #tpu.memory_space<vmem>>
      %dma_wait3A_508 = arith.constant 0 : i32
      %dma_wait3A_509 = tpu.memref_slice %arg5[%add3A_488, %dma_wait3A_508] : memref<100x64xi32, #tpu.memory_space<vmem>> -> memref<1x64xi32, #tpu.memory_space<vmem>>
      %dma_wait3A_510 = tpu.memref_squeeze %dma_wait3A_509 : memref<1x64xi32, #tpu.memory_space<vmem>> -> memref<64xi32, #tpu.memory_space<vmem>>
      %dma_wait3A_511 = arith.constant 0 : i32
      %dma_wait3A_512 = arith.constant 0 : i32
      %dma_wait3A_513 = tpu.memref_slice %arg3[%dma_wait3A_511, %dma_wait3A_512] : memref<100000x128xf32, #tpu.memory_space<hbm>> -> memref<100000x128xf32, #tpu.memory_space<hbm>>
      tpu.wait_indirect_dma semaphore(%arg15 : memref<!tpu.dma_semaphore, #tpu.memory_space<semaphore_mem>>) src(%dma_wait3A_513 : memref<100000x128xf32, #tpu.memory_space<hbm>>) dst(%dma_wait3A_507 : memref<64x128xf32, #tpu.memory_space<vmem>>)
      %mul3A_514 = arith.constant 64 : i32
      %mul3A_515 = arith.muli %add3A_488, %mul3A_514 : i32
      %add3A_516 = arith.addi %mul3A_2, %mul3A_515 : i32
      %dma_start3A_517 = arith.constant 8 : i32
      %dma_start3A_518 = arith.constant 0 : i32
      %dma_start3A_519 = arith.constant 0 : i32
      %dma_start3A_520 = tpu.memref_slice %arg6[%dma_start3A_517, %dma_start3A_518, %dma_start3A_519] : memref<10x64x128xf32, #tpu.memory_space<vmem>> -> memref<1x64x128xf32, #tpu.memory_space<vmem>>
      %dma_start3A_521 = tpu.memref_squeeze %dma_start3A_520 : memref<1x64x128xf32, #tpu.memory_space<vmem>> -> memref<64x128xf32, #tpu.memory_space<vmem>>
      %dma_start3A_522 = arith.constant 0 : i32
      %dma_start3A_523 = tpu.memref_slice %arg4[%add3A_516, %dma_start3A_522] : memref<204800x128xf32, #tpu.memory_space<hbm>> -> memref<64x128xf32, #tpu.memory_space<hbm>>
      %dma_start3A_524 = arith.constant 0 : i32
      %dma_start3A_525 = tpu.memref_slice %arg4[%add3A_516, %dma_start3A_524] : memref<204800x128xf32, #tpu.memory_space<hbm>> -> memref<64x128xf32, #tpu.memory_space<hbm>>
      %dma_start3A_526 = arith.constant 0 : i32
      %dma_start3A_527 = arith.constant 0 : i32
      %dma_start3A_528 = tpu.memref_slice %arg6[%dma_start3A_517, %dma_start3A_526, %dma_start3A_527] : memref<10x64x128xf32, #tpu.memory_space<vmem>> -> memref<1x64x128xf32, #tpu.memory_space<vmem>>
      %dma_start3A_529 = tpu.memref_squeeze %dma_start3A_528 : memref<1x64x128xf32, #tpu.memory_space<vmem>> -> memref<64x128xf32, #tpu.memory_space<vmem>>
      tpu.enqueue_dma source(%dma_start3A_529 : memref<64x128xf32, #tpu.memory_space<vmem>>) target(%dma_start3A_525 : memref<64x128xf32, #tpu.memory_space<hbm>>) target_semaphore(%arg25 : memref<!tpu.dma_semaphore, #tpu.memory_space<semaphore_mem>>)
      %mul3A_530 = arith.constant 10 : i32
      %mul3A_531 = arith.muli %scan3A_129, %mul3A_530 : i32
      %add3A_532 = arith.constant 9 : i32
      %add3A_533 = arith.addi %mul3A_531, %add3A_532 : i32
      %ge3A_534 = arith.constant 1 : i32
      %ge3A_535 = arith.cmpi sge, %add3A_533, %ge3A_534 : i32
      %convert_element_type3A_536 = arith.extui %ge3A_535 : i1 to i32
      %cond3A_537 = arith.constant 0 : i32
      %cond3A_538 = arith.cmpi ne, %convert_element_type3A_536, %cond3A_537 : i32
      scf.if %cond3A_538 {
        %sub3A_575 = arith.constant 1 : i32
        %sub3A_576 = arith.subi %add3A_533, %sub3A_575 : i32
        %mul3A_577 = arith.constant 64 : i32
        %mul3A_578 = arith.muli %sub3A_576, %mul3A_577 : i32
        %add3A_579 = arith.addi %mul3A_2, %mul3A_578 : i32
        %dma_wait3A_580 = arith.constant 8 : i32
        %dma_wait3A_581 = arith.constant 0 : i32
        %dma_wait3A_582 = arith.constant 0 : i32
        %dma_wait3A_583 = tpu.memref_slice %arg6[%dma_wait3A_580, %dma_wait3A_581, %dma_wait3A_582] : memref<10x64x128xf32, #tpu.memory_space<vmem>> -> memref<1x64x128xf32, #tpu.memory_space<vmem>>
        %dma_wait3A_584 = tpu.memref_squeeze %dma_wait3A_583 : memref<1x64x128xf32, #tpu.memory_space<vmem>> -> memref<64x128xf32, #tpu.memory_space<vmem>>
        %dma_wait3A_585 = arith.constant 0 : i32
        %dma_wait3A_586 = tpu.memref_slice %arg4[%add3A_579, %dma_wait3A_585] : memref<204800x128xf32, #tpu.memory_space<hbm>> -> memref<64x128xf32, #tpu.memory_space<hbm>>
        %dma_wait3A_587 = arith.constant 0 : i32
        %dma_wait3A_588 = tpu.memref_slice %arg4[%add3A_579, %dma_wait3A_587] : memref<204800x128xf32, #tpu.memory_space<hbm>> -> memref<64x128xf32, #tpu.memory_space<hbm>>
        %dma_wait3A_589 = arith.constant 0 : i32
        %dma_wait3A_590 = arith.constant 0 : i32
        %dma_wait3A_591 = tpu.memref_slice %arg6[%dma_wait3A_580, %dma_wait3A_589, %dma_wait3A_590] : memref<10x64x128xf32, #tpu.memory_space<vmem>> -> memref<1x64x128xf32, #tpu.memory_space<vmem>>
        %dma_wait3A_592 = tpu.memref_squeeze %dma_wait3A_591 : memref<1x64x128xf32, #tpu.memory_space<vmem>> -> memref<64x128xf32, #tpu.memory_space<vmem>>
        tpu.wait_dma2 semaphore(%arg25 : memref<!tpu.dma_semaphore, #tpu.memory_space<semaphore_mem>>) src(%dma_wait3A_592 : memref<64x128xf32, #tpu.memory_space<vmem>>) dst(%dma_wait3A_588 : memref<64x128xf32, #tpu.memory_space<hbm>>)
      } else {
      }
      %add3A_539 = arith.constant 10 : i32
      %add3A_540 = arith.addi %add3A_533, %add3A_539 : i32
      %sub3A_541 = arith.constant 1 : i32
      %sub3A_542 = arith.subi %add3A_540, %sub3A_541 : i32
      %lt3A_543 = arith.constant 100 : i32
      %lt3A_544 = arith.cmpi slt, %sub3A_542, %lt3A_543 : i32
      %convert_element_type3A_545 = arith.extui %lt3A_544 : i1 to i32
      %cond3A_546 = arith.constant 0 : i32
      %cond3A_547 = arith.cmpi ne, %convert_element_type3A_545, %cond3A_546 : i32
      scf.if %cond3A_547 {
        %add3A_575 = arith.constant 10 : i32
        %add3A_576 = arith.addi %add3A_533, %add3A_575 : i32
        %sub3A_577 = arith.constant 1 : i32
        %sub3A_578 = arith.subi %add3A_576, %sub3A_577 : i32
        %dma_start3A_579 = arith.constant 8 : i32
        %dma_start3A_580 = arith.constant 0 : i32
        %dma_start3A_581 = arith.constant 0 : i32
        %dma_start3A_582 = tpu.memref_slice %arg6[%dma_start3A_579, %dma_start3A_580, %dma_start3A_581] : memref<10x64x128xf32, #tpu.memory_space<vmem>> -> memref<1x64x128xf32, #tpu.memory_space<vmem>>
        %dma_start3A_583 = tpu.memref_squeeze %dma_start3A_582 : memref<1x64x128xf32, #tpu.memory_space<vmem>> -> memref<64x128xf32, #tpu.memory_space<vmem>>
        %dma_start3A_584 = arith.constant 0 : i32
        %dma_start3A_585 = tpu.memref_slice %arg5[%sub3A_578, %dma_start3A_584] : memref<100x64xi32, #tpu.memory_space<vmem>> -> memref<1x64xi32, #tpu.memory_space<vmem>>
        %dma_start3A_586 = tpu.memref_squeeze %dma_start3A_585 : memref<1x64xi32, #tpu.memory_space<vmem>> -> memref<64xi32, #tpu.memory_space<vmem>>
        %dma_start3A_587 = arith.constant 0 : i32
        %dma_start3A_588 = arith.constant 0 : i32
        %dma_start3A_589 = tpu.memref_slice %arg3[%dma_start3A_587, %dma_start3A_588] : memref<100000x128xf32, #tpu.memory_space<hbm>> -> memref<100000x128xf32, #tpu.memory_space<hbm>>
        tpu.enqueue_indirect_dma source(%dma_start3A_589 : memref<100000x128xf32, #tpu.memory_space<hbm>>) target(%dma_start3A_583 : memref<64x128xf32, #tpu.memory_space<vmem>>) offsets(%dma_start3A_586 : memref<64xi32, #tpu.memory_space<vmem>>) semaphore(%arg15 : memref<!tpu.dma_semaphore, #tpu.memory_space<semaphore_mem>>)
      } else {
      }
      %dma_wait3A_548 = arith.constant 9 : i32
      %dma_wait3A_549 = arith.constant 0 : i32
      %dma_wait3A_550 = arith.constant 0 : i32
      %dma_wait3A_551 = tpu.memref_slice %arg6[%dma_wait3A_548, %dma_wait3A_549, %dma_wait3A_550] : memref<10x64x128xf32, #tpu.memory_space<vmem>> -> memref<1x64x128xf32, #tpu.memory_space<vmem>>
      %dma_wait3A_552 = tpu.memref_squeeze %dma_wait3A_551 : memref<1x64x128xf32, #tpu.memory_space<vmem>> -> memref<64x128xf32, #tpu.memory_space<vmem>>
      %dma_wait3A_553 = arith.constant 0 : i32
      %dma_wait3A_554 = tpu.memref_slice %arg5[%add3A_533, %dma_wait3A_553] : memref<100x64xi32, #tpu.memory_space<vmem>> -> memref<1x64xi32, #tpu.memory_space<vmem>>
      %dma_wait3A_555 = tpu.memref_squeeze %dma_wait3A_554 : memref<1x64xi32, #tpu.memory_space<vmem>> -> memref<64xi32, #tpu.memory_space<vmem>>
      %dma_wait3A_556 = arith.constant 0 : i32
      %dma_wait3A_557 = arith.constant 0 : i32
      %dma_wait3A_558 = tpu.memref_slice %arg3[%dma_wait3A_556, %dma_wait3A_557] : memref<100000x128xf32, #tpu.memory_space<hbm>> -> memref<100000x128xf32, #tpu.memory_space<hbm>>
      tpu.wait_indirect_dma semaphore(%arg16 : memref<!tpu.dma_semaphore, #tpu.memory_space<semaphore_mem>>) src(%dma_wait3A_558 : memref<100000x128xf32, #tpu.memory_space<hbm>>) dst(%dma_wait3A_552 : memref<64x128xf32, #tpu.memory_space<vmem>>)
      %mul3A_559 = arith.constant 64 : i32
      %mul3A_560 = arith.muli %add3A_533, %mul3A_559 : i32
      %add3A_561 = arith.addi %mul3A_2, %mul3A_560 : i32
      %dma_start3A_562 = arith.constant 9 : i32
      %dma_start3A_563 = arith.constant 0 : i32
      %dma_start3A_564 = arith.constant 0 : i32
      %dma_start3A_565 = tpu.memref_slice %arg6[%dma_start3A_562, %dma_start3A_563, %dma_start3A_564] : memref<10x64x128xf32, #tpu.memory_space<vmem>> -> memref<1x64x128xf32, #tpu.memory_space<vmem>>
      %dma_start3A_566 = tpu.memref_squeeze %dma_start3A_565 : memref<1x64x128xf32, #tpu.memory_space<vmem>> -> memref<64x128xf32, #tpu.memory_space<vmem>>
      %dma_start3A_567 = arith.constant 0 : i32
      %dma_start3A_568 = tpu.memref_slice %arg4[%add3A_561, %dma_start3A_567] : memref<204800x128xf32, #tpu.memory_space<hbm>> -> memref<64x128xf32, #tpu.memory_space<hbm>>
      %dma_start3A_569 = arith.constant 0 : i32
      %dma_start3A_570 = tpu.memref_slice %arg4[%add3A_561, %dma_start3A_569] : memref<204800x128xf32, #tpu.memory_space<hbm>> -> memref<64x128xf32, #tpu.memory_space<hbm>>
      %dma_start3A_571 = arith.constant 0 : i32
      %dma_start3A_572 = arith.constant 0 : i32
      %dma_start3A_573 = tpu.memref_slice %arg6[%dma_start3A_562, %dma_start3A_571, %dma_start3A_572] : memref<10x64x128xf32, #tpu.memory_space<vmem>> -> memref<1x64x128xf32, #tpu.memory_space<vmem>>
      %dma_start3A_574 = tpu.memref_squeeze %dma_start3A_573 : memref<1x64x128xf32, #tpu.memory_space<vmem>> -> memref<64x128xf32, #tpu.memory_space<vmem>>
      tpu.enqueue_dma source(%dma_start3A_574 : memref<64x128xf32, #tpu.memory_space<vmem>>) target(%dma_start3A_570 : memref<64x128xf32, #tpu.memory_space<hbm>>) target_semaphore(%arg26 : memref<!tpu.dma_semaphore, #tpu.memory_space<semaphore_mem>>)
    }
    %scan3A_114 = arith.constant 10 : i32
    %add3A_115 = arith.constant 6336 : i32
    %add3A_116 = arith.addi %mul3A_2, %add3A_115 : i32
    %dma_wait3A = arith.constant 9 : i32
    %dma_wait3A_117 = arith.constant 0 : i32
    %dma_wait3A_118 = arith.constant 0 : i32
    %dma_wait3A_119 = tpu.memref_slice %arg6[%dma_wait3A, %dma_wait3A_117, %dma_wait3A_118] : memref<10x64x128xf32, #tpu.memory_space<vmem>> -> memref<1x64x128xf32, #tpu.memory_space<vmem>>
    %dma_wait3A_120 = tpu.memref_squeeze %dma_wait3A_119 : memref<1x64x128xf32, #tpu.memory_space<vmem>> -> memref<64x128xf32, #tpu.memory_space<vmem>>
    %dma_wait3A_121 = arith.constant 0 : i32
    %dma_wait3A_122 = tpu.memref_slice %arg4[%add3A_116, %dma_wait3A_121] : memref<204800x128xf32, #tpu.memory_space<hbm>> -> memref<64x128xf32, #tpu.memory_space<hbm>>
    %dma_wait3A_123 = arith.constant 0 : i32
    %dma_wait3A_124 = tpu.memref_slice %arg4[%add3A_116, %dma_wait3A_123] : memref<204800x128xf32, #tpu.memory_space<hbm>> -> memref<64x128xf32, #tpu.memory_space<hbm>>
    %dma_wait3A_125 = arith.constant 0 : i32
    %dma_wait3A_126 = arith.constant 0 : i32
    %dma_wait3A_127 = tpu.memref_slice %arg6[%dma_wait3A, %dma_wait3A_125, %dma_wait3A_126] : memref<10x64x128xf32, #tpu.memory_space<vmem>> -> memref<1x64x128xf32, #tpu.memory_space<vmem>>
    %dma_wait3A_128 = tpu.memref_squeeze %dma_wait3A_127 : memref<1x64x128xf32, #tpu.memory_space<vmem>> -> memref<64x128xf32, #tpu.memory_space<vmem>>
    tpu.wait_dma2 semaphore(%arg26 : memref<!tpu.dma_semaphore, #tpu.memory_space<semaphore_mem>>) src(%dma_wait3A_128 : memref<64x128xf32, #tpu.memory_space<vmem>>) dst(%dma_wait3A_124 : memref<64x128xf32, #tpu.memory_space<hbm>>)
    return
  }
}

</mosaic_0001>

<sc_bundles>
// kernel: kernel.3.cloned.1.call-start
scs
__scs_entry_jumppad:
0x0: {  	(pc) =	sbr.rel $0x88, $3  }
0x1: {  	(tag) =	ssettag $0x0;
	lr =	simm.s32 $0x1  }
0x2: {  	[smem:$0x3F9F] =	sst lr;
	_ =	strace $0xD0000000  }
0x3: {  	_ = 	snop  }
0x4: {  	_ = 	snop  }
0x5: {  	_ = 	snop  }
0x6: {  	_ = 	snop  }
0x7: {  	_ = 	snop  }
__scs_overlays_trampoline_lowered:
0x8: {  	[smem:$0x3FAE] =	sst s0  }
0x9: {  	[smem:$0x3FAF] =	sst s1  }
0xa: {  	[smem:$0x3FB0] =	sst s2  }
0xb: {  	[smem:$0x3FB1] =	sst s3  }
0xc: {  	[smem:$0x3FB2] =	sst s4  }
0xd: {  	[smem:$0x3FB3] =	sst s5  }
0xe: {  	[smem:$0x3FB4] =	sst s6  }
0xf: {  	[smem:$0x3FB5] =	sst s7  }
0x10: {  	[smem:$0x3FB6] =	sst s8  }
0x11: {  	[smem:$0x3FB7] =	sst s9;
	s0 =	simm.s32 @!p0 $0x0  }
0x12: {  	s1 =	sld [smem:$0x3F9D];
	s0 =	simm.s32 @p0 $0x1  }
0x13: {  	[smem:$0x3FB8] =	sst s0;
	s0 =	simm.s32 @!p1 $0x0  }
0x14: {  	s2 =	sld [smem:$0x3F9C];
	s0 =	simm.s32 @p1 $0x1  }
0x15: {  	[smem:$0x3FB9] =	sst s0;
	s0 =	simm.s32 @!p2 $0x0  }
0x16: {  	s3 =	sld [smem:$0x3FDB];
	s0 =	simm.s32 @p2 $0x1  }
0x17: {  	s4 =	simm.s32 $0x1BF5;
	[smem:$0x3FBB] =	sst s0  }
0x18: {  	s0 =	sld [smem:$0x3F9E];
	_ =	swait.ge [sflag:s4], $0x0  }
0x19: {  	s7 =	sld [smem:$0x3F9F]  }
0x1a: {  	s8 =	sadd.s32 $0xFFFFE003, lr  }
0x1b: {  	s9 =	sadd.s32 $0xFFFFFEF7, lr;
	s5 =	simm.s32 $0xFFFFFFFF;
	p2 =	slt.u32 s8, $0xFFFFF086  }
0x1c: {  	p1 =	slt.u32 s9, $0xF7A;
	s5 =	simm.s32 @!p2 $0x0  }
0x1d: {  	s5 =	simm.s32 @p1 $0x1;
	p0 =	seq.s32 s7, s2  }
0x1e: {  	s7 =	smul.u32 @!p0 $0xF7A, s2;
	p2 =	seq.s32 @!p0 s5, $0x0  }
0x1f: {  	s9 =	smul.u32 $0xF7A, s1;
	s8 =	simm.s32 @!p0 $0x1BF5;
	p2 =	por !p2, p0  }
0x20: {  	[sflag:s8] =	ssyncset.s32 @!p0 $0xFFFFF086;
	s6 =	sadd.s32 @!p0 s3, s7;
	s7 =	simm.s32 @!p0 $0x108  }
0x21: {  	s3 =	sadd.s32 s3, s9;
	s6 =	sadd.s32 @!p0 $0x88, s6;
	s7 =	simm.s32 @p2 $0x1082  }
0x22: {  	[simem:s7], [sflag:s8] =	dma.local @!p0 [hbm:s6], $0xF7A  }
0x23: {  	s9 =	sor.u32 $0xD0000000, s2;
	s6 =	simm.s32 $0x108;
	_ =	swait.ge @!p0 [sflag:s8], $0x0  }
0x24: {  	s3 =	sadd.s32 $0x88, s3;
	s6 =	simm.s32 @!p1 $0x1082;
	[sflag:s4] =	ssyncset.s32 $0xFFFFF086  }
0x25: {  	[simem:s6], [sflag:s4] =	dma.local [hbm:s3], $0xF7A  }
0x26: {  	[smem:$0x3F9F] =	sst s1;
	(tag) =	ssettag s2;
	_ =	strace s9  }
0x27: {  	s1 =	sld [smem:$0x3FAF]  }
0x28: {  	s2 =	sld [smem:$0x3FB0]  }
0x29: {  	s4 =	sld [smem:$0x3FB2]  }
0x2a: {  	p0 =	seq.s32 s5, $0x0;
	s5 =	sld [smem:$0x3FB3]  }
0x2b: {  	s6 =	sld [smem:$0x3FB4]  }
0x2c: {  	s7 =	sld [smem:$0x3FB5]  }
0x2d: {  	s3 =	simm.s32 $0x108;
	s8 =	sld [smem:$0x3FB6]  }
0x2e: {  	s3 =	simm.s32 @!p0 $0x1082;
	s9 =	sld [smem:$0x3FB7]  }
0x2f: {  	lr =	sadd.s32 s0, s3;
	s0 =	sld [smem:$0x3FAE]  }
0x30: {  	s3 =	sld [smem:$0x3FB1]  }
0x31: {  	[smem:$0x3FBA] =	sst s10  }
0x32: {  	s10 =	sld [smem:$0x3FB8];
	_ =	sdelay $0x3  }
0x33: {  	p0 =	seq.s32 s10, $0x1;
	s10 =	sld [smem:$0x3FBA];
	_ =	sdelay $0x3  }
0x34: {  	[smem:$0x3FBA] =	sst s10  }
0x35: {  	s10 =	sld [smem:$0x3FB9];
	_ =	sdelay $0x3  }
0x36: {  	p1 =	seq.s32 s10, $0x1;
	s10 =	sld [smem:$0x3FBA];
	_ =	sdelay $0x3  }
0x37: {  	[smem:$0x3FBA] =	sst s10  }
0x38: {  	s10 =	sld [smem:$0x3FBB]  }
0x39: {  	_ = 	snop;
	(pc) =	sbr.ind lr, $3  }
0x3a: {  	_ = 	snop  }
0x3b: {  	_ = 	snop  }
0x3c: {  	p2 =	seq.s32 s10, $0x1;
	s10 =	sld [smem:$0x3FBA]  }
0x3d: {  	_ =	shalt  }
0x3e: {  	_ =	shalt  }
0x3f: {  	_ =	shalt  }
0x40: {  	_ =	shalt  }
0x41: {  	_ =	shalt  }
0x42: {  	_ =	shalt  }
0x43: {  	_ =	shalt  }
0x44: {  	_ =	shalt  }
0x45: {  	_ =	shalt  }
0x46: {  	_ =	shalt  }
0x47: {  	_ =	shalt  }
0x48: {  	_ =	shalt  }
0x49: {  	_ =	shalt  }
0x4a: {  	_ =	shalt  }
0x4b: {  	_ =	shalt  }
0x4c: {  	_ =	shalt  }
0x4d: {  	_ =	shalt  }
0x4e: {  	_ =	shalt  }
0x4f: {  	_ =	shalt  }
0x50: {  	_ =	shalt  }
0x51: {  	_ =	shalt  }
0x52: {  	_ =	shalt  }
0x53: {  	_ =	shalt  }
0x54: {  	_ =	shalt  }
0x55: {  	_ =	shalt  }
0x56: {  	_ =	shalt  }
0x57: {  	_ =	shalt  }
0x58: {  	_ =	shalt  }
0x59: {  	_ =	shalt  }
0x5a: {  	_ =	shalt  }
0x5b: {  	_ =	shalt  }
0x5c: {  	_ =	shalt  }
0x5d: {  	_ =	shalt  }
0x5e: {  	_ =	shalt  }
0x5f: {  	_ =	shalt  }
0x60: {  	_ =	shalt  }
0x61: {  	_ =	shalt  }
0x62: {  	_ =	shalt  }
0x63: {  	_ =	shalt  }
0x64: {  	_ =	shalt  }
0x65: {  	_ =	shalt  }
0x66: {  	_ =	shalt  }
0x67: {  	_ =	shalt  }
0x68: {  	_ =	shalt  }
0x69: {  	_ =	shalt  }
0x6a: {  	_ =	shalt  }
0x6b: {  	_ =	shalt  }
0x6c: {  	_ =	shalt  }
0x6d: {  	_ =	shalt  }
0x6e: {  	_ =	shalt  }
0x6f: {  	_ =	shalt  }
0x70: {  	_ =	shalt  }
0x71: {  	_ =	shalt  }
0x72: {  	_ =	shalt  }
0x73: {  	_ =	shalt  }
0x74: {  	_ =	shalt  }
0x75: {  	_ =	shalt  }
0x76: {  	_ =	shalt  }
0x77: {  	_ =	shalt  }
0x78: {  	_ =	shalt  }
0x79: {  	_ =	shalt  }
0x7a: {  	_ =	shalt  }
0x7b: {  	_ =	shalt  }
0x7c: {  	_ =	shalt  }
0x7d: {  	_ =	shalt  }
0x7e: {  	_ =	shalt  }
0x7f: {  	_ =	shalt  }
0x80: {  	_ =	shalt  }
0x81: {  	_ =	shalt  }
0x82: {  	_ =	shalt  }
0x83: {  	_ =	shalt  }
0x84: {  	_ =	shalt  }
0x85: {  	_ =	shalt  }
0x86: {  	_ =	shalt  }
0x87: {  	_ =	shalt  }
.Lfunc_end0:
.L_simem_size_0:
called_computation_lowered:
.L_overlay_start_0:
0x88: {  	s2 =	sld [smem:$0x3FD9]  }
0x89: {  	s3 =	sld [smem:$0x3FFE];
	_ =	sdelay $0x1  }
0x8a: {  	s1 =	srdreg.scid  }
0x8b: {  	s0 =	sand.u32 $0x1, s1  }
0x8c: {  	s17 =	sshll.u32 s0, $0xA;
	s2 =	sadd.s32 s3, s2  }
0x8d: {  	s2 =	sadd.s32 s2, s17  }
0x8e: {  	[smem:$0x3FC6] =	sst s2  }
0x8f: {  	_ = 	snop  }
0x90: {  	s2 =	sld [smem:$0x3FC8]  }
0x91: {  	s18 =	sld [smem:$0x3FD0];
	(tm) =	ssettm $0x1  }
0x92: {  	s4 =	sld [smem:$0x3FFB];
	_ =	sdelay $0x3  }
0x93: {  	_ =	strace s4  }
0x94: {  	s4 =	sld [smem:$0x3FFC];
	_ =	sdelay $0x3  }
0x95: {  	_ =	strace s4  }
0x96: {  	s4 =	sld [smem:$0x3FFD];
	_ =	sdelay $0x3  }
0x97: {  	_ =	strace s4  }
0x98: {  	_ =	strace $0x8FFFFFFF  }
0x99: {  	s19 =	sld [smem:$0x3FDB];
	_ =	sdelay $0x1  }
0x9a: {  	s5 =	simm.s32 $_scs_section_size  }
0x9b: {  	s6 =	simm.s32 $_size__tile_overlayer_lowered;
	s7 =	simm.s32 $_tile_overlayer_lowered  }
0x9c: {  	s22 =	simm.s32 $0x1BFF;
	s21 =	sshll.u32 s7, $0x1;
	s4 =	sadd.s32 s5, s19  }
0x9d: {  	s8 =	simm.s32 $0x0;
	s20 =	sshll.u32 s6, $0x1;
	s6 =	sadd.s32 s21, s4  }
0x9e: {  	[timem:s8], [sflag:s22] =	dma.local [hbm:s6], s20  }
0x9f: {  	_ =	swait.ge [sflag:s22], s20  }
0xa0: {  	s5 =	ssub.s32 $0x0, s20;
	[sflag:s22] =	ssyncset.done $0x0  }
0xa1: {  	[sflag:s22] =	ssyncadd.s32 s5;
	_ =	sdelay $0x1  }
0xa2: {  	s23 =	simm.s32 $0x1B8B  }
0xa3: {  	_ =	swait.ge [sflag:s23], $0x1  }
0xa4: {  	[sflag:s23] =	ssyncset.done $0x0  }
0xa5: {  	s25 =	simm.s32 $0x1B8E;
	s24 =	sld [smem:$0x3FFE];
	[sflag:s23] =	ssyncadd.s32 $0xFFFFFFFF  }
0xa6: {  	s26 =	simm.s32 $execute0_lowered;
	[smem:$0x3FD2] =	sst s25  }
0xa7: {  	s6 =	sshll.u32 s26, $0x1;
	_ =	strace $0x80000046;
	[dreg:$0x1] =	wrdreg $0xFFFFFFFF  }
0xa8: {  	s28 =	simm.s32 $_size_execute0_lowered;
	s4 =	sadd.s32 s4, s6;
	[dreg:$0x0] =	wrdreg $0x0  }
0xa9: {  	s6 =	sshll.u32 s28, $0x1;
	[dreg:$0x2] =	wrdreg s4  }
0xaa: {  	[dreg:$0x3] =	wrdreg s6  }
0xab: {  	[dreg:$0x4] =	wrdreg $0xC0  }
0xac: {  	_ =	task [dreg:s8], $0x5FFFF  }
0xad: {  	[dreg:$0x1] =	wrdreg $0xFFFFFFFF  }
0xae: {  	[dreg:$0x0] =	wrdreg $0x60  }
0xaf: {  	[dreg:$0x2] =	wrdreg s24  }
0xb0: {  	[dreg:$0x3] =	wrdreg s2  }
0xb1: {  	[dreg:$0x4] =	wrdreg s18  }
0xb2: {  	[dreg:$0x5] =	wrdreg $0x9  }
0xb3: {  	_ =	task.clear_ibuf [dreg:s8], $0x6FFFF;
	_ =	strace $0x90000046  }
0xb4: {  	s29 =	simm.s32 $0x9;
	_ =	strace $0x80000048  }
0xb5: {  	_ =	swait.ge [sflag:s29], $0x1  }
0xb6: {  	[sflag:s29] =	ssyncadd.s32 $0xFFFFFFFF  }
0xb7: {  	_ =	strace $0x90000048  }
0xb8: {  	_ =	sfence  }
0xb9: {  	s30 =	sld [smem:$0x0];
	_ =	sdelay $0x2  }
0xba: {  	s31 =	sshll.u32 s1, $0xD;
	s1 =	sshrl.u32 s1, $0x2  }
0xbb: {  	s3 =	sand.u32 $0x4000, s31;
	s1 =	sadd.s32 s1, s30  }
0xbc: {  	s0 =	sor.u32 s3, s0;
	s1 =	sshll.u32 s1, $0x11  }
0xbd: {  	s0 =	sor.u32 s1, s0  }
0xbe: {  	s0 =	sadd.s32 $0x8F2B, s0  }
0xbf: {  	[sflag:s0] =	ssyncadd.remote.s32 $0x1  }
0xc0: {  	_ =	sfence.sel $0xFFFF  }
0xc1: {  	[dreg:$0x0] =	wrdreg $0xFFFFFFFF;
	(pc) =	sbr.abs _section_cstart, $3  }
0xc2: {  	[dreg:$0x1] =	wrdreg $0xFFFFFFFF  }
0xc3: {  	_ =	task.clear_ibuf [dreg:s8], $0x2FFFF;
	_ =	strace $0x9FFFFFFF  }
0xc4: {  	(tm) =	ssettm $0x7FFFFFFF  }
0xc5: {  	_ =	shalt  }
tec
execute0_lowered:
.L_overlay_start_1:
0x0: {  	(tag) =	ssettag $0x1  }
0x1: {  	s0 =	srdreg.scid;
	s3 =	rddreg [dreg:$0x0]  }
0x2: {  	s6 =	stileid.u32;
	s2 =	rddreg [dreg:$0x1];
	s4 =	simm.s32 $0x0  }
0x3: {  	s31 =	simm.s32 $0xC;
	s10 =	simm.s32 $0x4;
	s5 =	smul.u32 $0x32000, s6  }
0x4: {  	s0 =	sand.u32 $0x1, s0;
	s1 =	sshll.u32 s6, $0x1;
	s6 =	smul.u32 $0x190000, s6  }
0x5: {  	s12 =	simm.s32 $0xE;
	[smem:$0x7FF] =	sst s4;
	s8 =	smul.u32 $0xC8000, s0  }
0x6: {  	s1 =	sor.u32 s0, s1;
	s7 =	ssub.s32 $0x2, s0;
	s0 =	smul.u32 $0x19000, s0  }
0x7: {  	_ =	strace $0x80000047;
	s1 =	smul.u32 $0x680, s1;
	s9 =	sshrl.u32 s7, $0x1  }
0x8: {  	s13 =	ssub.s32 s7, s9;
	s6 =	sadd.s32 s8, s6;
	s0 =	sadd.s32 s0, s5  }
0x9: {  	s5 =	simm.s32 $0x8;
	s7 =	simm.s32 $0x9;
	s9 =	simm.s32 $0xA  }
0xa: {  	s1 =	sadd.s32 s1, s3;
	s14 =	sadd.s32 $0x12000, s6;
	[dreg:$0x4] =	wrdreg s0  }
0xb: {  	s16 =	sadd.s32 $0x10000, s6;
	s18 =	sadd.s32 $0xE000, s6;
	s20 =	sadd.s32 $0xC000, s6  }
0xc: {  	s22 =	sadd.s32 $0xA000, s6;
	s24 =	sadd.s32 $0x8000, s6;
	s26 =	sor.u32 $0x6000, s6  }
0xd: {  	s29 =	sor.u32 $0x4000, s6;
	s3 =	smax.u32 s13, $0x1;
	s0 =	simm.s32 $0xD  }
0xe: {  	s6 =	simm.s32 $0x12;
	s1 =	sadd.s32 $0x400, s1;
	[dreg:$0xe] =	wrdreg s3  }
0xf: {  	s13 =	simm.s32 $0x0;
	s15 =	sshrl.u32 s14, $0x3;
	[dreg:$0xd] =	wrdreg s1  }
0x10: {  	s17 =	sshrl.u32 s16, $0x3;
	s19 =	sshrl.u32 s18, $0x3;
	[dreg:$0x5] =	wrdreg s15  }
0x11: {  	s21 =	sshrl.u32 s20, $0x3;
	s23 =	sshrl.u32 s22, $0x3;
	[dreg:$0x6] =	wrdreg s17  }
0x12: {  	s25 =	sshrl.u32 s24, $0x3;
	s28 =	sshrl.u32 s26, $0x3;
	[dreg:$0x7] =	wrdreg s19  }
0x13: {  	s30 =	sshrl.u32 s29, $0x3;
	s14 =	simm.s32 $0x5;
	[dreg:$0x8] =	wrdreg s21  }
0x14: {  	s16 =	simm.s32 $0xF;
	s18 =	simm.s32 $0x6;
	[dreg:$0x9] =	wrdreg s23  }
0x15: {  	s20 =	simm.s32 $0x10;
	s22 =	simm.s32 $0x7;
	[dreg:$0xa] =	wrdreg s25  }
0x16: {  	s24 =	simm.s32 $0x11;
	s3 =	simm.s32 $0x13;
	[dreg:$0xb] =	wrdreg s28  }
0x17: {  	[dreg:$0xc] =	wrdreg s30;
	s15 =	simm.s32 $0x15400;
	s1 =	simm.s32 $0x3  }
.LBB2_1:
0x18: {  	[dreg:$0xf] =	wrdreg s13  }
0x19: {  	s8 =	rddreg [dreg:$0xd];
	s19 =	simm.s32 $0x15  }
0x1a: {  	[tilespmem:s4], [sflag:$0x15] =	stream.linear.gather [hbm4b:s8+s4], $0x3200, $0x38;
	[tilespmem:$0x17400] =	vst v63  }
0x1b: {  	_ =	swait.ge [sflag:s19], $0x3200  }
0x1c: {  	[sflag:s19] =	ssyncset.done $0x0  }
0x1d: {  	s11 =	simm.s32 $0x40;
	s13 =	simm.s32 $0x3400;
	[sflag:s19] =	ssyncadd.s32 $0xFFFFCE00  }
0x1e: {  	[tilespmem:s13], [sflag:$0x1] =	stream.indirect.gather [hbm4b:s2+s11], $0x80, s4, s11, $0xb8;
	[tilespmem:$0x17400] =	vst v63  }
0x1f: {  	s21 =	simm.s32 $0x80;
	s19 =	simm.s32 $0x5400  }
0x20: {  	[tilespmem:s19], [sflag:$0x2] =	stream.indirect.gather [hbm4b:s2+s11], $0x80, s21, s11, $0xb8;
	[tilespmem:$0x17400] =	vst v63  }
0x21: {  	s23 =	simm.s32 $0x100;
	s21 =	simm.s32 $0x7400  }
0x22: {  	[tilespmem:s21], [sflag:$0x3] =	stream.indirect.gather [hbm4b:s2+s11], $0x80, s23, s11, $0xb8;
	[tilespmem:$0x17400] =	vst v63  }
0x23: {  	s25 =	simm.s32 $0x180;
	s23 =	simm.s32 $0x9400  }
0x24: {  	[tilespmem:s23], [sflag:$0x4] =	stream.indirect.gather [hbm4b:s2+s11], $0x80, s25, s11, $0xb8;
	[tilespmem:$0x17400] =	vst v63  }
0x25: {  	s26 =	simm.s32 $0x200;
	s25 =	simm.s32 $0xB400  }
0x26: {  	[tilespmem:s25], [sflag:$0x5] =	stream.indirect.gather [hbm4b:s2+s11], $0x80, s26, s11, $0xb8;
	[tilespmem:$0x17400] =	vst v63  }
0x27: {  	s28 =	simm.s32 $0x280;
	s26 =	simm.s32 $0xD400  }
0x28: {  	[tilespmem:s26], [sflag:$0x6] =	stream.indirect.gather [hbm4b:s2+s11], $0x80, s28, s11, $0xb8;
	[tilespmem:$0x17400] =	vst v63  }
0x29: {  	s29 =	simm.s32 $0x300;
	p0 =	por $0x1, $0x1;
	s28 =	simm.s32 $0xF400  }
0x2a: {  	[tilespmem:s28], [sflag:$0x7] =	stream.indirect.gather [hbm4b:s2+s11], $0x80, s29, s11, $0xb8;
	[tilespmem:$0x17400] =	vst v63  }
0x2b: {  	s30 =	simm.s32 $0x380;
	p0 =	por p0, p0;
	s29 =	simm.s32 $0x11400  }
0x2c: {  	[tilespmem:s29], [sflag:$0x8] =	stream.indirect.gather [hbm4b:s2+s11], $0x80, s30, s11, $0xb8;
	[tilespmem:$0x17400] =	vst v63  }
0x2d: {  	s17 =	simm.s32 $0x400;
	s8 =	simm.s32 @!p0 $0x14;
	s30 =	simm.s32 $0x13400  }
0x2e: {  	[tilespmem:s30], [sflag:$0x9] =	stream.indirect.gather [hbm4b:s2+s11], $0x80, s17, s11, $0xb8;
	[tilespmem:$0x17400] =	vst v63  }
0x2f: {  	_ =	swait.ge @!p0 [sflag:s8], $0x2000  }
0x30: {  	[sflag:s8] =	ssyncset.done @!p0 $0x0  }
0x31: {  	s17 =	simm.s32 $0x480;
	[sflag:s8] =	ssyncadd.s32 @!p0 $0xFFFFE000;
	s8 =	simm.s32 $0x1  }
0x32: {  	[tilespmem:s15], [sflag:$0xA] =	stream.indirect.gather [hbm4b:s2+s11], $0x80, s17, s11, $0xb8;
	[tilespmem:$0x17400] =	vst v63  }
0x33: {  	_ =	swait.ge [sflag:s8], $0x2000  }
0x34: {  	[sflag:s8] =	ssyncset.done $0x0  }
0x35: {  	s15 =	rddreg [dreg:$0x4];
	[sflag:s8] =	ssyncadd.s32 $0xFFFFE000  }
0x36: {  	s17 =	rddreg [dreg:$0x2]  }
0x37: {  	s11 =	sadd.s32 s17, s15;
	s15 =	simm.s32 $0xB  }
0x38: {  	[hbm4b:s11+s4] =	stream.linear.scatter [tilespmem:s13], [sflag:$0xB], $0x2000, $0x38;
	[tilespmem:$0x17400] =	vst v63  }
0x39: {  	p0 =	por $0x0, $0x0;
	_ =	swait.ge [sflag:s15], $0x2000  }
0x3a: {  	s8 =	simm.s32 @!p0 $0x40;
	[sflag:s15] =	ssyncset.done $0x0  }
0x3b: {  	s13 =	simm.s32 @!p0 $0x3400;
	[sflag:s15] =	ssyncadd.s32 $0xFFFFE000;
	s15 =	simm.s32 @!p0 $0x500  }
0x3c: {  	[tilespmem:s13], [sflag:$0x1] =	stream.indirect.gather @!p0 [hbm4b:s2+s8], $0x80, s15, s8, $0xb8;
	[tilespmem:$0x17400] =	vst v63  }
0x3d: {  	s15 =	simm.s32 $0x2  }
0x3e: {  	_ =	swait.ge [sflag:s15], $0x2000  }
0x3f: {  	[sflag:s15] =	ssyncset.done $0x0  }
0x40: {  	s11 =	sadd.s32 $0x400, s11;
	[sflag:s15] =	ssyncadd.s32 $0xFFFFE000  }
0x41: {  	[hbm4b:s11+s4] =	stream.linear.scatter [tilespmem:s19], [sflag:$0xC], $0x2000, $0x38;
	[tilespmem:$0x17400] =	vst v63  }
0x42: {  	_ =	swait.ge [sflag:s31], $0x2000  }
0x43: {  	[sflag:s31] =	ssyncset.done $0x0  }
0x44: {  	s13 =	simm.s32 @!p0 $0x5400;
	s11 =	simm.s32 @!p0 $0x580;
	[sflag:s31] =	ssyncadd.s32 $0xFFFFE000  }
0x45: {  	[tilespmem:s13], [sflag:$0x2] =	stream.indirect.gather @!p0 [hbm4b:s2+s8], $0x80, s11, s8, $0xb8;
	[tilespmem:$0x17400] =	vst v63  }
0x46: {  	_ =	swait.ge [sflag:s1], $0x2000  }
0x47: {  	s19 =	rddreg [dreg:$0xc];
	[sflag:s1] =	ssyncset.done $0x0  }
0x48: {  	[sflag:s1] =	ssyncadd.s32 $0xFFFFE000;
	s11 =	sadd.s32 s17, s19  }
0x49: {  	[hbm4b:s11+s4] =	stream.linear.scatter [tilespmem:s21], [sflag:$0xD], $0x2000, $0x38;
	[tilespmem:$0x17400] =	vst v63  }
0x4a: {  	_ =	swait.ge [sflag:s0], $0x2000  }
0x4b: {  	[sflag:s0] =	ssyncset.done $0x0  }
0x4c: {  	s13 =	simm.s32 @!p0 $0x7400;
	s11 =	simm.s32 @!p0 $0x600;
	[sflag:s0] =	ssyncadd.s32 $0xFFFFE000  }
0x4d: {  	[tilespmem:s13], [sflag:$0x3] =	stream.indirect.gather @!p0 [hbm4b:s2+s8], $0x80, s11, s8, $0xb8;
	[tilespmem:$0x17400] =	vst v63  }
0x4e: {  	_ =	swait.ge [sflag:s10], $0x2000  }
0x4f: {  	s21 =	rddreg [dreg:$0xb];
	[sflag:s10] =	ssyncset.done $0x0  }
0x50: {  	[sflag:s10] =	ssyncadd.s32 $0xFFFFE000;
	s11 =	sadd.s32 s17, s21  }
0x51: {  	[hbm4b:s11+s4] =	stream.linear.scatter [tilespmem:s23], [sflag:$0xE], $0x2000, $0x38;
	[tilespmem:$0x17400] =	vst v63  }
0x52: {  	_ =	swait.ge [sflag:s12], $0x2000  }
0x53: {  	[sflag:s12] =	ssyncset.done $0x0  }
0x54: {  	s13 =	simm.s32 @!p0 $0x9400;
	s11 =	simm.s32 @!p0 $0x680;
	[sflag:s12] =	ssyncadd.s32 $0xFFFFE000  }
0x55: {  	[tilespmem:s13], [sflag:$0x4] =	stream.indirect.gather @!p0 [hbm4b:s2+s8], $0x80, s11, s8, $0xb8;
	[tilespmem:$0x17400] =	vst v63  }
0x56: {  	_ =	swait.ge [sflag:s14], $0x2000  }
0x57: {  	s23 =	rddreg [dreg:$0xa];
	[sflag:s14] =	ssyncset.done $0x0  }
0x58: {  	[sflag:s14] =	ssyncadd.s32 $0xFFFFE000;
	s11 =	sadd.s32 s17, s23  }
0x59: {  	[hbm4b:s11+s4] =	stream.linear.scatter [tilespmem:s25], [sflag:$0xF], $0x2000, $0x38;
	[tilespmem:$0x17400] =	vst v63  }
0x5a: {  	_ =	swait.ge [sflag:s16], $0x2000  }
0x5b: {  	[sflag:s16] =	ssyncset.done $0x0  }
0x5c: {  	s13 =	simm.s32 @!p0 $0xB400;
	s11 =	simm.s32 @!p0 $0x700;
	[sflag:s16] =	ssyncadd.s32 $0xFFFFE000  }
0x5d: {  	[tilespmem:s13], [sflag:$0x5] =	stream.indirect.gather @!p0 [hbm4b:s2+s8], $0x80, s11, s8, $0xb8;
	[tilespmem:$0x17400] =	vst v63  }
0x5e: {  	_ =	swait.ge [sflag:s18], $0x2000  }
0x5f: {  	s25 =	rddreg [dreg:$0x9];
	[sflag:s18] =	ssyncset.done $0x0  }
0x60: {  	[sflag:s18] =	ssyncadd.s32 $0xFFFFE000;
	s11 =	sadd.s32 s17, s25  }
0x61: {  	[hbm4b:s11+s4] =	stream.linear.scatter [tilespmem:s26], [sflag:$0x10], $0x2000, $0x38;
	[tilespmem:$0x17400] =	vst v63  }
0x62: {  	_ =	swait.ge [sflag:s20], $0x2000  }
0x63: {  	[sflag:s20] =	ssyncset.done $0x0  }
0x64: {  	s13 =	simm.s32 @!p0 $0xD400;
	s11 =	simm.s32 @!p0 $0x780;
	[sflag:s20] =	ssyncadd.s32 $0xFFFFE000  }
0x65: {  	[tilespmem:s13], [sflag:$0x6] =	stream.indirect.gather @!p0 [hbm4b:s2+s8], $0x80, s11, s8, $0xb8;
	[tilespmem:$0x17400] =	vst v63  }
0x66: {  	_ =	swait.ge [sflag:s22], $0x2000  }
0x67: {  	s26 =	rddreg [dreg:$0x8];
	[sflag:s22] =	ssyncset.done $0x0  }
0x68: {  	[sflag:s22] =	ssyncadd.s32 $0xFFFFE000;
	s11 =	sadd.s32 s17, s26  }
0x69: {  	[hbm4b:s11+s4] =	stream.linear.scatter [tilespmem:s28], [sflag:$0x11], $0x2000, $0x38;
	[tilespmem:$0x17400] =	vst v63  }
0x6a: {  	_ =	swait.ge [sflag:s24], $0x2000  }
0x6b: {  	[sflag:s24] =	ssyncset.done $0x0  }
0x6c: {  	s13 =	simm.s32 @!p0 $0xF400;
	s11 =	simm.s32 @!p0 $0x800;
	[sflag:s24] =	ssyncadd.s32 $0xFFFFE000  }
0x6d: {  	[tilespmem:s13], [sflag:$0x7] =	stream.indirect.gather @!p0 [hbm4b:s2+s8], $0x80, s11, s8, $0xb8;
	[tilespmem:$0x17400] =	vst v63  }
0x6e: {  	_ =	swait.ge [sflag:s5], $0x2000  }
0x6f: {  	s28 =	rddreg [dreg:$0x7];
	[sflag:s5] =	ssyncset.done $0x0  }
0x70: {  	[sflag:s5] =	ssyncadd.s32 $0xFFFFE000;
	s11 =	sadd.s32 s17, s28  }
0x71: {  	[hbm4b:s11+s4] =	stream.linear.scatter [tilespmem:s29], [sflag:$0x12], $0x2000, $0x38;
	[tilespmem:$0x17400] =	vst v63  }
0x72: {  	_ =	swait.ge [sflag:s6], $0x2000  }
0x73: {  	[sflag:s6] =	ssyncset.done $0x0  }
0x74: {  	s13 =	simm.s32 @!p0 $0x11400;
	s11 =	simm.s32 @!p0 $0x880;
	[sflag:s6] =	ssyncadd.s32 $0xFFFFE000  }
0x75: {  	[tilespmem:s13], [sflag:$0x8] =	stream.indirect.gather @!p0 [hbm4b:s2+s8], $0x80, s11, s8, $0xb8;
	[tilespmem:$0x17400] =	vst v63  }
0x76: {  	_ =	swait.ge [sflag:s7], $0x2000  }
0x77: {  	s29 =	rddreg [dreg:$0x6];
	[sflag:s7] =	ssyncset.done $0x0  }
0x78: {  	[sflag:s7] =	ssyncadd.s32 $0xFFFFE000;
	s11 =	sadd.s32 s17, s29  }
0x79: {  	[hbm4b:s11+s4] =	stream.linear.scatter [tilespmem:s30], [sflag:$0x13], $0x2000, $0x38;
	[tilespmem:$0x17400] =	vst v63  }
0x7a: {  	_ =	swait.ge [sflag:s3], $0x2000  }
0x7b: {  	p6 =	por $0x0, $0x0;
	[sflag:s3] =	ssyncset.done $0x0  }
0x7c: {  	s13 =	simm.s32 @!p0 $0x13400;
	s11 =	simm.s32 @!p0 $0x900;
	[sflag:s3] =	ssyncadd.s32 $0xFFFFE000  }
0x7d: {  	[tilespmem:s13], [sflag:$0x9] =	stream.indirect.gather @!p0 [hbm4b:s2+s8], $0x80, s11, s8, $0xb8;
	[tilespmem:$0x17400] =	vst v63  }
0x7e: {  	s13 =	simm.s32 $0x1400;
	s8 =	simm.s32 $0x2800;
	_ =	swait.ge [sflag:s9], $0x2000  }
0x7f: {  	p0 =	por p6, p6;
	s30 =	rddreg [dreg:$0x5];
	[sflag:s9] =	ssyncset.done $0x0  }
0x80: {  	s11 =	sadd.s32 $0x2800, s17;
	[sflag:s9] =	ssyncadd.s32 $0xFFFFE000;
	s15 =	sadd.s32 s17, s30  }
.LBB2_2:
0x81: {  	s19 =	simm.s32 $0x15400  }
0x82: {  	[hbm4b:s15+s4] =	stream.linear.scatter [tilespmem:s19], [sflag:$0x14], $0x2000, $0x38;
	[tilespmem:$0x17400] =	vst v63  }
0x83: {  	s15 =	simm.s32 @!p0 $0x14  }
0x84: {  	s26 =	smov.u32 s8;
	_ =	swait.ge @!p0 [sflag:s15], $0x2000  }
0x85: {  	s17 =	sshra.s32 s13, $0x2;
	s28 =	simm.s32 $0x40;
	[sflag:s15] =	ssyncset.done @!p0 $0x0  }
0x86: {  	s29 =	simm.s32 $0x1;
	s25 =	sadd.s32 $0x480, s17;
	[sflag:s15] =	ssyncadd.s32 @!p0 $0xFFFFE000  }
0x87: {  	[tilespmem:s19], [sflag:$0xA] =	stream.indirect.gather [hbm4b:s2+s28], $0x80, s25, s28, $0xb8;
	[tilespmem:$0x17400] =	vst v63  }
0x88: {  	s21 =	simm.s32 $0xB;
	s23 =	simm.s32 $0x2;
	_ =	swait.ge [sflag:s29], $0x2000  }
0x89: {  	p2 =	seq.s32 s26, $0x0;
	s30 =	rddreg [dreg:$0x4];
	[sflag:s29] =	ssyncset.done $0x0  }
0x8a: {  	s19 =	simm.s32 $0x3400;
	[sflag:s29] =	ssyncadd.s32 $0xFFFFE000;
	s17 =	sadd.s32 s11, s30  }
0x8b: {  	[hbm4b:s17+s4] =	stream.linear.scatter [tilespmem:s19], [sflag:$0xB], $0x2000, $0x38;
	[tilespmem:$0x17400] =	vst v63  }
0x8c: {  	p0 =	por p2, p2;
	p2 =	seq.s32 s13, $0xB400;
	_ =	swait.ge [sflag:s21], $0x2000  }
0x8d: {  	s13 =	sshra.s32 @!p2 s13, $0x2;
	s15 =	simm.s32 @!p2 $0x40;
	[sflag:s21] =	ssyncset.done $0x0  }
0x8e: {  	s19 =	simm.s32 @!p2 $0x3400;
	[sflag:s21] =	ssyncadd.s32 $0xFFFFE000;
	s21 =	sadd.s32 @!p2 $0x500, s13  }
0x8f: {  	[tilespmem:s19], [sflag:$0x1] =	stream.indirect.gather @!p2 [hbm4b:s2+s15], $0x80, s21, s15, $0xb8;
	[tilespmem:$0x17400] =	vst v63  }
0x90: {  	s28 =	sadd.s32 @!p2 $0x580, s13;
	s25 =	sadd.s32 @!p2 $0x700, s13;
	_ =	swait.ge [sflag:s23], $0x2000  }
0x91: {  	s29 =	sadd.s32 @!p2 $0x600, s13;
	s30 =	sadd.s32 @!p2 $0x680, s13;
	[sflag:s23] =	ssyncset.done $0x0  }
0x92: {  	s17 =	sadd.s32 $0x400, s17;
	s21 =	simm.s32 $0x5400;
	[sflag:s23] =	ssyncadd.s32 $0xFFFFE000  }
0x93: {  	[hbm4b:s17+s4] =	stream.linear.scatter [tilespmem:s21], [sflag:$0xC], $0x2000, $0x38;
	[tilespmem:$0x17400] =	vst v63  }
0x94: {  	s19 =	sadd.s32 @!p2 $0x880, s13;
	s23 =	sadd.s32 @!p2 $0x780, s13;
	_ =	swait.ge [sflag:s31], $0x2000  }
0x95: {  	s21 =	sadd.s32 @!p2 $0x800, s13;
	s17 =	sadd.s32 @!p2 $0x900, s13;
	[sflag:s31] =	ssyncset.done $0x0  }
0x96: {  	s13 =	smov.u32 s26;
	s26 =	simm.s32 @!p2 $0x5400;
	[sflag:s31] =	ssyncadd.s32 $0xFFFFE000  }
0x97: {  	[tilespmem:s26], [sflag:$0x2] =	stream.indirect.gather @!p2 [hbm4b:s2+s15], $0x80, s28, s15, $0xb8;
	[tilespmem:$0x17400] =	vst v63  }
0x98: {  	_ =	swait.ge [sflag:s1], $0x2000  }
0x99: {  	s28 =	rddreg [dreg:$0xc];
	[sflag:s1] =	ssyncset.done $0x0  }
0x9a: {  	[sflag:s1] =	ssyncadd.s32 $0xFFFFE000;
	s26 =	sadd.s32 s11, s28;
	s28 =	simm.s32 $0x7400  }
0x9b: {  	[hbm4b:s26+s4] =	stream.linear.scatter [tilespmem:s28], [sflag:$0xD], $0x2000, $0x38;
	[tilespmem:$0x17400] =	vst v63  }
0x9c: {  	_ =	swait.ge [sflag:s0], $0x2000  }
0x9d: {  	[sflag:s0] =	ssyncset.done $0x0  }
0x9e: {  	s26 =	simm.s32 @!p2 $0x7400;
	[sflag:s0] =	ssyncadd.s32 $0xFFFFE000  }
0x9f: {  	[tilespmem:s26], [sflag:$0x3] =	stream.indirect.gather @!p2 [hbm4b:s2+s15], $0x80, s29, s15, $0xb8;
	[tilespmem:$0x17400] =	vst v63  }
0xa0: {  	_ =	swait.ge [sflag:s10], $0x2000  }
0xa1: {  	s28 =	rddreg [dreg:$0xb];
	[sflag:s10] =	ssyncset.done $0x0  }
0xa2: {  	s29 =	simm.s32 $0x9400;
	[sflag:s10] =	ssyncadd.s32 $0xFFFFE000;
	s26 =	sadd.s32 s11, s28  }
0xa3: {  	[hbm4b:s26+s4] =	stream.linear.scatter [tilespmem:s29], [sflag:$0xE], $0x2000, $0x38;
	[tilespmem:$0x17400] =	vst v63  }
0xa4: {  	_ =	swait.ge [sflag:s12], $0x2000  }
0xa5: {  	[sflag:s12] =	ssyncset.done $0x0  }
0xa6: {  	s26 =	simm.s32 @!p2 $0x9400;
	[sflag:s12] =	ssyncadd.s32 $0xFFFFE000  }
0xa7: {  	[tilespmem:s26], [sflag:$0x4] =	stream.indirect.gather @!p2 [hbm4b:s2+s15], $0x80, s30, s15, $0xb8;
	[tilespmem:$0x17400] =	vst v63  }
0xa8: {  	_ =	swait.ge [sflag:s14], $0x2000  }
0xa9: {  	s29 =	rddreg [dreg:$0xa];
	[sflag:s14] =	ssyncset.done $0x0  }
0xaa: {  	s30 =	simm.s32 $0xB400;
	[sflag:s14] =	ssyncadd.s32 $0xFFFFE000;
	s26 =	sadd.s32 s11, s29  }
0xab: {  	[hbm4b:s26+s4] =	stream.linear.scatter [tilespmem:s30], [sflag:$0xF], $0x2000, $0x38;
	[tilespmem:$0x17400] =	vst v63  }
0xac: {  	_ =	swait.ge [sflag:s16], $0x2000  }
0xad: {  	[sflag:s16] =	ssyncset.done $0x0  }
0xae: {  	s26 =	simm.s32 @!p2 $0xB400;
	[sflag:s16] =	ssyncadd.s32 $0xFFFFE000  }
0xaf: {  	[tilespmem:s26], [sflag:$0x5] =	stream.indirect.gather @!p2 [hbm4b:s2+s15], $0x80, s25, s15, $0xb8;
	[tilespmem:$0x17400] =	vst v63  }
0xb0: {  	_ =	swait.ge [sflag:s18], $0x2000  }
0xb1: {  	s26 =	rddreg [dreg:$0x9];
	[sflag:s18] =	ssyncset.done $0x0  }
0xb2: {  	s28 =	simm.s32 $0xD400;
	[sflag:s18] =	ssyncadd.s32 $0xFFFFE000;
	s25 =	sadd.s32 s11, s26  }
0xb3: {  	[hbm4b:s25+s4] =	stream.linear.scatter [tilespmem:s28], [sflag:$0x10], $0x2000, $0x38;
	[tilespmem:$0x17400] =	vst v63  }
0xb4: {  	_ =	swait.ge [sflag:s20], $0x2000  }
0xb5: {  	[sflag:s20] =	ssyncset.done $0x0  }
0xb6: {  	s25 =	simm.s32 @!p2 $0xD400;
	[sflag:s20] =	ssyncadd.s32 $0xFFFFE000  }
0xb7: {  	[tilespmem:s25], [sflag:$0x6] =	stream.indirect.gather @!p2 [hbm4b:s2+s15], $0x80, s23, s15, $0xb8;
	[tilespmem:$0x17400] =	vst v63  }
0xb8: {  	_ =	swait.ge [sflag:s22], $0x2000  }
0xb9: {  	s29 =	rddreg [dreg:$0x8];
	[sflag:s22] =	ssyncset.done $0x0  }
0xba: {  	s30 =	simm.s32 $0xF400;
	[sflag:s22] =	ssyncadd.s32 $0xFFFFE000;
	s23 =	sadd.s32 s11, s29  }
0xbb: {  	[hbm4b:s23+s4] =	stream.linear.scatter [tilespmem:s30], [sflag:$0x11], $0x2000, $0x38;
	[tilespmem:$0x17400] =	vst v63  }
0xbc: {  	_ =	swait.ge [sflag:s24], $0x2000  }
0xbd: {  	[sflag:s24] =	ssyncset.done $0x0  }
0xbe: {  	s23 =	simm.s32 @!p2 $0xF400;
	[sflag:s24] =	ssyncadd.s32 $0xFFFFE000  }
0xbf: {  	[tilespmem:s23], [sflag:$0x7] =	stream.indirect.gather @!p2 [hbm4b:s2+s15], $0x80, s21, s15, $0xb8;
	[tilespmem:$0x17400] =	vst v63  }
0xc0: {  	_ =	swait.ge [sflag:s5], $0x2000  }
0xc1: {  	s25 =	rddreg [dreg:$0x7];
	[sflag:s5] =	ssyncset.done $0x0  }
0xc2: {  	s26 =	simm.s32 $0x11400;
	[sflag:s5] =	ssyncadd.s32 $0xFFFFE000;
	s21 =	sadd.s32 s11, s25  }
0xc3: {  	[hbm4b:s21+s4] =	stream.linear.scatter [tilespmem:s26], [sflag:$0x12], $0x2000, $0x38;
	[tilespmem:$0x17400] =	vst v63  }
0xc4: {  	_ =	swait.ge [sflag:s6], $0x2000  }
0xc5: {  	[sflag:s6] =	ssyncset.done $0x0  }
0xc6: {  	s21 =	simm.s32 @!p2 $0x11400;
	[sflag:s6] =	ssyncadd.s32 $0xFFFFE000  }
0xc7: {  	[tilespmem:s21], [sflag:$0x8] =	stream.indirect.gather @!p2 [hbm4b:s2+s15], $0x80, s19, s15, $0xb8;
	[tilespmem:$0x17400] =	vst v63  }
0xc8: {  	_ =	swait.ge [sflag:s7], $0x2000  }
0xc9: {  	s28 =	rddreg [dreg:$0x6];
	[sflag:s7] =	ssyncset.done $0x0  }
0xca: {  	s29 =	simm.s32 $0x13400;
	[sflag:s7] =	ssyncadd.s32 $0xFFFFE000;
	s19 =	sadd.s32 s11, s28  }
0xcb: {  	[hbm4b:s19+s4] =	stream.linear.scatter [tilespmem:s29], [sflag:$0x13], $0x2000, $0x38;
	[tilespmem:$0x17400] =	vst v63  }
0xcc: {  	s8 =	sadd.s32 $0x1400, s8;
	_ =	swait.ge [sflag:s3], $0x2000  }
0xcd: {  	p1 =	sne.s32 s8, $0xC800;
	[sflag:s3] =	ssyncset.done $0x0  }
.Ltmp0:
0xce: {  	s19 =	simm.s32 @!p2 $0x13400;
	[sflag:s3] =	ssyncadd.s32 $0xFFFFE000;
	(pc) =	sbr.rel @p1 .LBB2_2-.Ltmp0, $4  }
0xcf: {  	[tilespmem:s19], [sflag:$0x9] =	stream.indirect.gather @!p2 [hbm4b:s2+s15], $0x80, s17, s15, $0xb8;
	[tilespmem:$0x17400] =	vst v63  }
0xd0: {  	_ =	swait.ge [sflag:s9], $0x2000  }
0xd1: {  	[sflag:s9] =	ssyncset.done $0x0;
	s30 =	rddreg [dreg:$0x5]  }
0xd2: {  	[sflag:s9] =	ssyncadd.s32 $0xFFFFE000;
	s15 =	sadd.s32 s11, s30;
	s11 =	sadd.s32 $0x2800, s11  }
0xd3: {  	s21 =	simm.s32 $0x15400;
	s8 =	simm.s32 @!p0 $0x14  }
0xd4: {  	[hbm4b:s15+s4] =	stream.linear.scatter [tilespmem:s21], [sflag:$0x14], $0x2000, $0x38;
	[tilespmem:$0x17400] =	vst v63  }
0xd5: {  	_ =	swait.ge @!p0 [sflag:s8], $0x2000  }
0xd6: {  	s28 =	sshra.s32 s13, $0x2;
	s30 =	simm.s32 $0x40;
	[sflag:s8] =	ssyncset.done @!p0 $0x0  }
0xd7: {  	s17 =	simm.s32 $0x1;
	s29 =	sadd.s32 $0x480, s28;
	[sflag:s8] =	ssyncadd.s32 @!p0 $0xFFFFE000  }
0xd8: {  	[tilespmem:s21], [sflag:$0xA] =	stream.indirect.gather [hbm4b:s2+s30], $0x80, s29, s30, $0xb8;
	[tilespmem:$0x17400] =	vst v63  }
0xd9: {  	_ =	swait.ge [sflag:s17], $0x2000  }
0xda: {  	s25 =	simm.s32 $0x3400;
	s19 =	rddreg [dreg:$0x4];
	[sflag:s17] =	ssyncset.done $0x0  }
0xdb: {  	[sflag:s17] =	ssyncadd.s32 $0xFFFFE000;
	s23 =	sadd.s32 s11, s19;
	s19 =	simm.s32 $0xB  }
0xdc: {  	[hbm4b:s23+s4] =	stream.linear.scatter [tilespmem:s25], [sflag:$0xB], $0x2000, $0x38;
	[tilespmem:$0x17400] =	vst v63  }
0xdd: {  	s26 =	simm.s32 $0x2;
	p0 =	seq.s32 s13, $0xB400;
	_ =	swait.ge [sflag:s19], $0x2000  }
0xde: {  	s8 =	sshra.s32 @!p0 s13, $0x2;
	s13 =	simm.s32 @!p0 $0x40;
	[sflag:s19] =	ssyncset.done $0x0  }
0xdf: {  	s17 =	simm.s32 @!p0 $0x3400;
	[sflag:s19] =	ssyncadd.s32 $0xFFFFE000;
	s19 =	sadd.s32 @!p0 $0x500, s8  }
0xe0: {  	[tilespmem:s17], [sflag:$0x1] =	stream.indirect.gather @!p0 [hbm4b:s2+s13], $0x80, s19, s13, $0xb8;
	[tilespmem:$0x17400] =	vst v63  }
0xe1: {  	_ =	swait.ge [sflag:s26], $0x2000  }
0xe2: {  	[sflag:s26] =	ssyncset.done $0x0  }
0xe3: {  	s28 =	simm.s32 $0x5400;
	s15 =	sadd.s32 $0x400, s23;
	[sflag:s26] =	ssyncadd.s32 $0xFFFFE000  }
0xe4: {  	[hbm4b:s15+s4] =	stream.linear.scatter [tilespmem:s28], [sflag:$0xC], $0x2000, $0x38;
	[tilespmem:$0x17400] =	vst v63  }
0xe5: {  	_ =	swait.ge [sflag:s31], $0x2000  }
0xe6: {  	[sflag:s31] =	ssyncset.done $0x0  }
0xe7: {  	s17 =	simm.s32 @!p0 $0x5400;
	s15 =	sadd.s32 @!p0 $0x580, s8;
	[sflag:s31] =	ssyncadd.s32 $0xFFFFE000  }
0xe8: {  	[tilespmem:s17], [sflag:$0x2] =	stream.indirect.gather @!p0 [hbm4b:s2+s13], $0x80, s15, s13, $0xb8;
	[tilespmem:$0x17400] =	vst v63  }
0xe9: {  	_ =	swait.ge [sflag:s1], $0x2000  }
0xea: {  	s29 =	rddreg [dreg:$0xc];
	[sflag:s1] =	ssyncset.done $0x0  }
0xeb: {  	s30 =	simm.s32 $0x7400;
	[sflag:s1] =	ssyncadd.s32 $0xFFFFE000;
	s15 =	sadd.s32 s11, s29  }
0xec: {  	[hbm4b:s15+s4] =	stream.linear.scatter [tilespmem:s30], [sflag:$0xD], $0x2000, $0x38;
	[tilespmem:$0x17400] =	vst v63  }
0xed: {  	_ =	swait.ge [sflag:s0], $0x2000  }
0xee: {  	[sflag:s0] =	ssyncset.done $0x0  }
0xef: {  	s17 =	simm.s32 @!p0 $0x7400;
	s15 =	sadd.s32 @!p0 $0x600, s8;
	[sflag:s0] =	ssyncadd.s32 $0xFFFFE000  }
0xf0: {  	[tilespmem:s17], [sflag:$0x3] =	stream.indirect.gather @!p0 [hbm4b:s2+s13], $0x80, s15, s13, $0xb8;
	[tilespmem:$0x17400] =	vst v63  }
0xf1: {  	_ =	swait.ge [sflag:s10], $0x2000  }
0xf2: {  	s17 =	rddreg [dreg:$0xb];
	[sflag:s10] =	ssyncset.done $0x0  }
0xf3: {  	s19 =	simm.s32 $0x9400;
	[sflag:s10] =	ssyncadd.s32 $0xFFFFE000;
	s15 =	sadd.s32 s11, s17  }
0xf4: {  	[hbm4b:s15+s4] =	stream.linear.scatter [tilespmem:s19], [sflag:$0xE], $0x2000, $0x38;
	[tilespmem:$0x17400] =	vst v63  }
0xf5: {  	_ =	swait.ge [sflag:s12], $0x2000  }
0xf6: {  	[sflag:s12] =	ssyncset.done $0x0  }
0xf7: {  	s17 =	simm.s32 @!p0 $0x9400;
	s15 =	sadd.s32 @!p0 $0x680, s8;
	[sflag:s12] =	ssyncadd.s32 $0xFFFFE000  }
0xf8: {  	[tilespmem:s17], [sflag:$0x4] =	stream.indirect.gather @!p0 [hbm4b:s2+s13], $0x80, s15, s13, $0xb8;
	[tilespmem:$0x17400] =	vst v63  }
0xf9: {  	_ =	swait.ge [sflag:s14], $0x2000  }
0xfa: {  	s23 =	rddreg [dreg:$0xa];
	[sflag:s14] =	ssyncset.done $0x0  }
0xfb: {  	s25 =	simm.s32 $0xB400;
	[sflag:s14] =	ssyncadd.s32 $0xFFFFE000;
	s15 =	sadd.s32 s11, s23  }
0xfc: {  	[hbm4b:s15+s4] =	stream.linear.scatter [tilespmem:s25], [sflag:$0xF], $0x2000, $0x38;
	[tilespmem:$0x17400] =	vst v63  }
0xfd: {  	_ =	swait.ge [sflag:s16], $0x2000  }
0xfe: {  	[sflag:s16] =	ssyncset.done $0x0  }
0xff: {  	s17 =	simm.s32 @!p0 $0xB400;
	s15 =	sadd.s32 @!p0 $0x700, s8;
	[sflag:s16] =	ssyncadd.s32 $0xFFFFE000  }
0x100: {  	[tilespmem:s17], [sflag:$0x5] =	stream.indirect.gather @!p0 [hbm4b:s2+s13], $0x80, s15, s13, $0xb8;
	[tilespmem:$0x17400] =	vst v63  }
0x101: {  	_ =	swait.ge [sflag:s18], $0x2000  }
0x102: {  	s26 =	rddreg [dreg:$0x9];
	[sflag:s18] =	ssyncset.done $0x0  }
0x103: {  	s28 =	simm.s32 $0xD400;
	[sflag:s18] =	ssyncadd.s32 $0xFFFFE000;
	s15 =	sadd.s32 s11, s26  }
0x104: {  	[hbm4b:s15+s4] =	stream.linear.scatter [tilespmem:s28], [sflag:$0x10], $0x2000, $0x38;
	[tilespmem:$0x17400] =	vst v63  }
0x105: {  	_ =	swait.ge [sflag:s20], $0x2000  }
0x106: {  	[sflag:s20] =	ssyncset.done $0x0  }
0x107: {  	s17 =	simm.s32 @!p0 $0xD400;
	s15 =	sadd.s32 @!p0 $0x780, s8;
	[sflag:s20] =	ssyncadd.s32 $0xFFFFE000  }
0x108: {  	[tilespmem:s17], [sflag:$0x6] =	stream.indirect.gather @!p0 [hbm4b:s2+s13], $0x80, s15, s13, $0xb8;
	[tilespmem:$0x17400] =	vst v63  }
0x109: {  	_ =	swait.ge [sflag:s22], $0x2000  }
0x10a: {  	s29 =	rddreg [dreg:$0x8];
	[sflag:s22] =	ssyncset.done $0x0  }
0x10b: {  	s30 =	simm.s32 $0xF400;
	[sflag:s22] =	ssyncadd.s32 $0xFFFFE000;
	s15 =	sadd.s32 s11, s29  }
0x10c: {  	[hbm4b:s15+s4] =	stream.linear.scatter [tilespmem:s30], [sflag:$0x11], $0x2000, $0x38;
	[tilespmem:$0x17400] =	vst v63  }
0x10d: {  	_ =	swait.ge [sflag:s24], $0x2000  }
0x10e: {  	[sflag:s24] =	ssyncset.done $0x0  }
0x10f: {  	s17 =	simm.s32 @!p0 $0xF400;
	s15 =	sadd.s32 @!p0 $0x800, s8;
	[sflag:s24] =	ssyncadd.s32 $0xFFFFE000  }
0x110: {  	[tilespmem:s17], [sflag:$0x7] =	stream.indirect.gather @!p0 [hbm4b:s2+s13], $0x80, s15, s13, $0xb8;
	[tilespmem:$0x17400] =	vst v63  }
0x111: {  	_ =	swait.ge [sflag:s5], $0x2000  }
0x112: {  	s17 =	rddreg [dreg:$0x7];
	[sflag:s5] =	ssyncset.done $0x0  }
0x113: {  	s19 =	simm.s32 $0x11400;
	[sflag:s5] =	ssyncadd.s32 $0xFFFFE000;
	s15 =	sadd.s32 s11, s17  }
0x114: {  	[hbm4b:s15+s4] =	stream.linear.scatter [tilespmem:s19], [sflag:$0x12], $0x2000, $0x38;
	[tilespmem:$0x17400] =	vst v63  }
0x115: {  	_ =	swait.ge [sflag:s6], $0x2000  }
0x116: {  	[sflag:s6] =	ssyncset.done $0x0  }
0x117: {  	s17 =	simm.s32 @!p0 $0x11400;
	s15 =	sadd.s32 @!p0 $0x880, s8;
	[sflag:s6] =	ssyncadd.s32 $0xFFFFE000  }
0x118: {  	[tilespmem:s17], [sflag:$0x8] =	stream.indirect.gather @!p0 [hbm4b:s2+s13], $0x80, s15, s13, $0xb8;
	[tilespmem:$0x17400] =	vst v63  }
0x119: {  	_ =	swait.ge [sflag:s7], $0x2000  }
0x11a: {  	s23 =	rddreg [dreg:$0x6];
	[sflag:s7] =	ssyncset.done $0x0  }
0x11b: {  	s25 =	simm.s32 $0x13400;
	[sflag:s7] =	ssyncadd.s32 $0xFFFFE000;
	s15 =	sadd.s32 s11, s23  }
0x11c: {  	[hbm4b:s15+s4] =	stream.linear.scatter [tilespmem:s25], [sflag:$0x13], $0x2000, $0x38;
	[tilespmem:$0x17400] =	vst v63  }
0x11d: {  	_ =	swait.ge [sflag:s3], $0x2000  }
0x11e: {  	[sflag:s3] =	ssyncset.done $0x0  }
0x11f: {  	s8 =	sadd.s32 @!p0 $0x900, s8;
	s15 =	simm.s32 @!p0 $0x13400;
	[sflag:s3] =	ssyncadd.s32 $0xFFFFE000  }
0x120: {  	[tilespmem:s15], [sflag:$0x9] =	stream.indirect.gather @!p0 [hbm4b:s2+s13], $0x80, s8, s13, $0xb8;
	[tilespmem:$0x17400] =	vst v63  }
0x121: {  	_ =	swait.ge [sflag:s9], $0x2000  }
0x122: {  	s26 =	rddreg [dreg:$0x5];
	[sflag:s9] =	ssyncset.done $0x0  }
0x123: {  	s28 =	simm.s32 $0x14;
	s8 =	sadd.s32 s11, s26;
	[sflag:s9] =	ssyncadd.s32 $0xFFFFE000  }
0x124: {  	[hbm4b:s8+s4] =	stream.linear.scatter [tilespmem:s21], [sflag:$0x14], $0x2000, $0x38;
	[tilespmem:$0x17400] =	vst v63  }
0x125: {  	_ =	swait.ge [sflag:s28], $0x2000  }
0x126: {  	s29 =	rddreg [dreg:$0xf]  }
0x127: {  	s30 =	rddreg [dreg:$0xe];
	s13 =	sadd.s32 $0x1, s29  }
0x128: {  	p0 =	sne.s32 s13, s30  }
.Ltmp1:
0x129: {  	_ = 	snop;
	(pc) =	sbr.rel @p0 .LBB2_1-.Ltmp1, $3  }
0x12a: {  	_ =	sdelay $0x1  }
0x12b: {  	[sflag:s28] =	ssyncset.done $0x0  }
0x12c: {  	s15 =	simm.s32 $0x15400;
	[sflag:s28] =	ssyncadd.s32 $0xFFFFE000  }
0x12d: {  	_ =	sfence.sel $0x180000  }
0x12e: {  	[bflag:$0x0] =	sbarrier.arrive $0xFFFF  }
0x12f: {  	_ =	strace $0x90000047  }
0x130: {  	s0 =	stileid.u32;
	[bflag:$0x2] =	sbarrier.arrive $0xFFFF  }
0x131: {  	p0 =	sne.s32 s0, $0x0;
	s0 =	rddreg [dreg:$0x3]  }
0x132: {  	s0 =	sadd.s32 @!p0 $0x100000, s0  }
0x133: {  	[sflag:s0] =	ssyncadd.tile.s32 @!p0 $0x1;
	_ =	shalt  }
.Lfunc_end2:
_tile_overlayer_lowered:
.L_overlay_start_2:
0x134: {  	(tag) =	ssettag $0x2  }
0x135: {  	s0 =	rddreg [dreg:$0x0];
	s2 =	stileid.u32  }
0x136: {  	s1 =	rddreg [dreg:$0x1];
	p0 =	sne.s32 s2, $0x0  }
0x137: {  	s3 =	rddreg [dreg:$0x2];
	[bflag:$0x3] =	sbarrier.arrive $0xFFFF;
	s2 =	simm.s32 @!p0 $0x1C15  }
0x138: {  	[timem:s3], [sflag:s2] =	dma.local @!p0 [hbm:s0], s1  }
0x139: {  	s0 =	simm.s32 @!p0 $0x15  }
0x13a: {  	_ =	swait.ge @!p0 [sflag:s0], s1  }
0x13b: {  	s1 =	ssub.s32 @!p0 $0x0, s1;
	[sflag:s0] =	ssyncset.done @!p0 $0x0  }
0x13c: {  	[sflag:s0] =	ssyncadd.s32 @!p0 s1  }
0x13d: {  	[bflag:$0x3] =	sbarrier.arrive $0xFFFF  }
0x13e: {  	_ =	shalt  }

</sc_bundles>
